<compile_context>
chip_gen: v7x
topology: tpu7x:2x2x1
jax: 0.10.2.dev20260603
libtpu: 0.0.44.dev20260713+nightly
codegen_flags: <defaults>
</compile_context>

<pallas_src>
import functools

import jax
import jax.numpy as jnp
from jax import lax
from jax.experimental import pallas as pl
from jax.experimental.pallas import tpu as pltpu
from jax.experimental.pallas import tpu_sc as plsc

NUM_ROWS = 1000000
DIM = 32

B_TOTAL = 16384 * 200
G = 128
CHUNK = 1024
KJ = CHUNK // G
NW = 32
B_PER_W = B_TOTAL // NW
CHUNKS_PER_W = B_PER_W // CHUNK
NPAIR = CHUNKS_PER_W // 2


def _body(idx_hbm, w_hbm, out_hbm, idx_v, rows_v, sem_g, sem_w0, sem_w1):
    wid = lax.axis_index("s") * 2 + lax.axis_index("c")
    base = wid * B_PER_W
    sem_w = (sem_w0, sem_w1)

    def stage_idx(c, p):
        pltpu.sync_copy(idx_hbm.at[pl.ds(base + c * CHUNK, CHUNK)],
                        idx_v.at[p])

    def issue_gathers(p):
        for j in range(KJ):
            pltpu.async_copy(
                w_hbm.at[idx_v.at[p, pl.ds(j * G, G)]],
                rows_v.at[p, pl.ds(j * G, G), :],
                sem_g,
            )

    def drain_gathers(p):
        pltpu.make_async_copy(
            w_hbm.at[pl.ds(0, CHUNK), :], rows_v.at[p], sem_g
        ).wait()

    def issue_writeback(c, p):
        pltpu.async_copy(
            rows_v.at[p],
            out_hbm.at[pl.ds(base + c * CHUNK, CHUNK), pl.ds(0, DIM)],
            sem_w[p],
        )

    def drain_writeback(p):
        pltpu.make_async_copy(
            w_hbm.at[pl.ds(0, CHUNK), :], rows_v.at[p], sem_w[p]
        ).wait()

    stage_idx(0, 0)
    issue_gathers(0)

    def pair(cc, carry):
        c0 = 2 * cc

        drain_gathers(0)
        issue_writeback(c0, 0)
        stage_idx(c0 + 1, 1)

        @pl.when(cc > 0)
        def _():
            drain_writeback(1)
        issue_gathers(1)

        drain_gathers(1)
        issue_writeback(c0 + 1, 1)

        @pl.when(cc < NPAIR - 1)
        def _():
            stage_idx(c0 + 2, 0)
            drain_writeback(0)
            issue_gathers(0)
        return carry

    lax.fori_loop(0, NPAIR, pair, 0)
    drain_writeback(0)
    drain_writeback(1)


_mesh = plsc.VectorSubcoreMesh(core_axis_name="c", subcore_axis_name="s")

_gather = functools.partial(
    pl.kernel,
    out_type=jax.ShapeDtypeStruct((B_TOTAL, 128), jnp.float32),
    mesh=_mesh,
    scratch_types=[
        pltpu.VMEM((2, CHUNK), jnp.int32),
        pltpu.VMEM((2, CHUNK, DIM), jnp.float32),
        pltpu.SemaphoreType.DMA,
        pltpu.SemaphoreType.DMA,
        pltpu.SemaphoreType.DMA,
    ],
    compiler_params=pltpu.CompilerParams(use_tc_tiling_on_sc=False),
)(_body)


def kernel(x, weight):
    idx = x.reshape(B_TOTAL).astype(jnp.int32)
    out = _gather(idx, weight)
    return out[:, :DIM].reshape(*x.shape, DIM)

# --- scband reference (transcript-rebuilt; emitter-appended) ---
"""Pipeline reference for scband-embedding-33741263078084 (READ-ONLY COPY).

The authoritative reference and input builder live on the scoring server;
editing this copy changes nothing except your own understanding.
"""

import jax, jax.numpy as jnp
import numpy as np

NUM_EMBEDDINGS = 1000000
EMBEDDING_SIZE = 32


def setup_inputs(seed: int = 0) -> dict:
    key = jax.random.key(seed)
    k_idx, k_w = jax.random.split(key)
    x = jax.random.randint(k_idx, (16384, 200), 0, NUM_EMBEDDINGS, dtype=jnp.int64 if jax.config.jax_enable_x64 else jnp.int32)
    weight = jax.random.normal(k_w, (NUM_EMBEDDINGS, EMBEDDING_SIZE), dtype=jnp.float32)
    return {"x": x, "weight": weight}


def reference(x, weight):
    # Faithful translation of Embedding.__call__: jnp.take(self.weight, x, axis=0)
    return jnp.take(weight, x, axis=0)

if __name__ == "__main__":
    import jax
    _d = setup_inputs()
    print(jax.jit(kernel)(*tuple(_d.values())))

</pallas_src>

<mosaic_0001>
#map = affine_map<(d0, d1) -> (0)>
#map1 = affine_map<(d0, d1) -> (0, 0)>
module attributes {stable_mosaic.version = 14 : i64} {
  func.func @_body(%arg0: i32, %arg1: i32, %arg2: memref<3276800xi32, #tpu.memory_space<hbm>>, %arg3: memref<1000000x32xf32, #tpu.memory_space<hbm>>, %arg4: memref<3276800x128xf32, #tpu.memory_space<hbm>>, %arg5: memref<2x1024xi32, #tpu.memory_space<vmem>>, %arg6: memref<2x1024x32xf32, #tpu.memory_space<vmem>>, %arg7: memref<!tpu.dma_semaphore, #tpu.memory_space<semaphore_mem>>, %arg8: memref<!tpu.dma_semaphore, #tpu.memory_space<semaphore_mem>>, %arg9: memref<!tpu.dma_semaphore, #tpu.memory_space<semaphore_mem>>) attributes {dimension_semantics = [#tpu.dimension_semantics<core_parallel>, #tpu.dimension_semantics<subcore_parallel>], iteration_bounds = array<i64: 2, 16>, scalar_prefetch = 0 : i64, scratch_operands = 5 : i64, tpu.core_type = #tpu.core_type<sc_vector_subcore>, window_params = [{transform_indices = #map}, {transform_indices = #map1}, {transform_indices = #map1}]} {
    %mul3A = arith.constant 2 : i32
    %mul3A_0 = arith.muli %arg1, %mul3A : i32
    %add3A = arith.addi %mul3A_0, %arg0 : i32
    %mul3A_1 = arith.constant 102400 : i32
    %mul3A_2 = arith.muli %add3A, %mul3A_1 : i32
    %add3A_3 = arith.constant 0 : i32
    %add3A_4 = arith.addi %mul3A_2, %add3A_3 : i32
    %run_scoped3A = arith.constant 0 : i32
    "tpu.region"() ({
      %run_scoped3A_134 = tpu.sem_alloc : memref<!tpu.dma_semaphore, #tpu.memory_space<semaphore_mem>>
      %dma_start3A_135 = arith.constant 0 : i32
      %dma_start3A_136 = tpu.memref_slice %arg5[%run_scoped3A, %dma_start3A_135] : memref<2x1024xi32, #tpu.memory_space<vmem>> -> memref<1x1024xi32, #tpu.memory_space<vmem>>
      %dma_start3A_137 = tpu.memref_squeeze %dma_start3A_136 : memref<1x1024xi32, #tpu.memory_space<vmem>> -> memref<1024xi32, #tpu.memory_space<vmem>>
      %dma_start3A_138 = tpu.memref_slice %arg2[%add3A_4] : memref<3276800xi32, #tpu.memory_space<hbm>> -> memref<1024xi32, #tpu.memory_space<hbm>>
      %dma_start3A_139 = arith.constant 0 : i32
      %dma_start3A_140 = tpu.memref_slice %arg5[%run_scoped3A, %dma_start3A_139] : memref<2x1024xi32, #tpu.memory_space<vmem>> -> memref<1x1024xi32, #tpu.memory_space<vmem>>
      %dma_start3A_141 = tpu.memref_squeeze %dma_start3A_140 : memref<1x1024xi32, #tpu.memory_space<vmem>> -> memref<1024xi32, #tpu.memory_space<vmem>>
      %dma_start3A_142 = tpu.memref_slice %arg2[%add3A_4] : memref<3276800xi32, #tpu.memory_space<hbm>> -> memref<1024xi32, #tpu.memory_space<hbm>>
      tpu.enqueue_dma source(%dma_start3A_142 : memref<1024xi32, #tpu.memory_space<hbm>>) target(%dma_start3A_141 : memref<1024xi32, #tpu.memory_space<vmem>>) target_semaphore(%run_scoped3A_134 : memref<!tpu.dma_semaphore, #tpu.memory_space<semaphore_mem>>)
      %dma_wait3A_143 = arith.constant 0 : i32
      %dma_wait3A_144 = tpu.memref_slice %arg5[%run_scoped3A, %dma_wait3A_143] : memref<2x1024xi32, #tpu.memory_space<vmem>> -> memref<1x1024xi32, #tpu.memory_space<vmem>>
      %dma_wait3A_145 = tpu.memref_squeeze %dma_wait3A_144 : memref<1x1024xi32, #tpu.memory_space<vmem>> -> memref<1024xi32, #tpu.memory_space<vmem>>
      %dma_wait3A_146 = tpu.memref_slice %arg2[%add3A_4] : memref<3276800xi32, #tpu.memory_space<hbm>> -> memref<1024xi32, #tpu.memory_space<hbm>>
      %dma_wait3A_147 = arith.constant 0 : i32
      %dma_wait3A_148 = tpu.memref_slice %arg5[%run_scoped3A, %dma_wait3A_147] : memref<2x1024xi32, #tpu.memory_space<vmem>> -> memref<1x1024xi32, #tpu.memory_space<vmem>>
      %dma_wait3A_149 = tpu.memref_squeeze %dma_wait3A_148 : memref<1x1024xi32, #tpu.memory_space<vmem>> -> memref<1024xi32, #tpu.memory_space<vmem>>
      %dma_wait3A_150 = tpu.memref_slice %arg2[%add3A_4] : memref<3276800xi32, #tpu.memory_space<hbm>> -> memref<1024xi32, #tpu.memory_space<hbm>>
      tpu.wait_dma2 semaphore(%run_scoped3A_134 : memref<!tpu.dma_semaphore, #tpu.memory_space<semaphore_mem>>) src(%dma_wait3A_150 : memref<1024xi32, #tpu.memory_space<hbm>>) dst(%dma_wait3A_149 : memref<1024xi32, #tpu.memory_space<vmem>>)
      tpu.yield
    }) : () -> ()
    %dma_start3A = arith.constant 0 : i32
    %dma_start3A_5 = arith.constant 0 : i32
    %dma_start3A_6 = arith.constant 0 : i32
    %dma_start3A_7 = arith.constant 0 : i32
    %dma_start3A_8 = tpu.memref_slice %arg6[%dma_start3A_5, %dma_start3A_6, %dma_start3A_7] : memref<2x1024x32xf32, #tpu.memory_space<vmem>> -> memref<1x128x32xf32, #tpu.memory_space<vmem>>
    %dma_start3A_9 = tpu.memref_squeeze %dma_start3A_8 : memref<1x128x32xf32, #tpu.memory_space<vmem>> -> memref<128x32xf32, #tpu.memory_space<vmem>>
    %dma_start3A_10 = arith.constant 0 : i32
    %dma_start3A_11 = tpu.memref_slice %arg5[%dma_start3A, %dma_start3A_10] : memref<2x1024xi32, #tpu.memory_space<vmem>> -> memref<1x128xi32, #tpu.memory_space<vmem>>
    %dma_start3A_12 = tpu.memref_squeeze %dma_start3A_11 : memref<1x128xi32, #tpu.memory_space<vmem>> -> memref<128xi32, #tpu.memory_space<vmem>>
    %dma_start3A_13 = arith.constant 0 : i32
    %dma_start3A_14 = arith.constant 0 : i32
    %dma_start3A_15 = tpu.memref_slice %arg3[%dma_start3A_13, %dma_start3A_14] : memref<1000000x32xf32, #tpu.memory_space<hbm>> -> memref<1000000x32xf32, #tpu.memory_space<hbm>>
    tpu.enqueue_indirect_dma source(%dma_start3A_15 : memref<1000000x32xf32, #tpu.memory_space<hbm>>) target(%dma_start3A_9 : memref<128x32xf32, #tpu.memory_space<vmem>>) offsets(%dma_start3A_12 : memref<128xi32, #tpu.memory_space<vmem>>) semaphore(%arg7 : memref<!tpu.dma_semaphore, #tpu.memory_space<semaphore_mem>>)
    %dma_start3A_16 = arith.constant 0 : i32
    %dma_start3A_17 = arith.constant 0 : i32
    %dma_start3A_18 = arith.constant 128 : i32
    %dma_start3A_19 = arith.constant 0 : i32
    %dma_start3A_20 = tpu.memref_slice %arg6[%dma_start3A_17, %dma_start3A_18, %dma_start3A_19] : memref<2x1024x32xf32, #tpu.memory_space<vmem>> -> memref<1x128x32xf32, #tpu.memory_space<vmem>>
    %dma_start3A_21 = tpu.memref_squeeze %dma_start3A_20 : memref<1x128x32xf32, #tpu.memory_space<vmem>> -> memref<128x32xf32, #tpu.memory_space<vmem>>
    %dma_start3A_22 = arith.constant 128 : i32
    %dma_start3A_23 = tpu.memref_slice %arg5[%dma_start3A_16, %dma_start3A_22] : memref<2x1024xi32, #tpu.memory_space<vmem>> -> memref<1x128xi32, #tpu.memory_space<vmem>>
    %dma_start3A_24 = tpu.memref_squeeze %dma_start3A_23 : memref<1x128xi32, #tpu.memory_space<vmem>> -> memref<128xi32, #tpu.memory_space<vmem>>
    %dma_start3A_25 = arith.constant 0 : i32
    %dma_start3A_26 = arith.constant 0 : i32
    %dma_start3A_27 = tpu.memref_slice %arg3[%dma_start3A_25, %dma_start3A_26] : memref<1000000x32xf32, #tpu.memory_space<hbm>> -> memref<1000000x32xf32, #tpu.memory_space<hbm>>
    tpu.enqueue_indirect_dma source(%dma_start3A_27 : memref<1000000x32xf32, #tpu.memory_space<hbm>>) target(%dma_start3A_21 : memref<128x32xf32, #tpu.memory_space<vmem>>) offsets(%dma_start3A_24 : memref<128xi32, #tpu.memory_space<vmem>>) semaphore(%arg7 : memref<!tpu.dma_semaphore, #tpu.memory_space<semaphore_mem>>)
    %dma_start3A_28 = arith.constant 0 : i32
    %dma_start3A_29 = arith.constant 0 : i32
    %dma_start3A_30 = arith.constant 256 : i32
    %dma_start3A_31 = arith.constant 0 : i32
    %dma_start3A_32 = tpu.memref_slice %arg6[%dma_start3A_29, %dma_start3A_30, %dma_start3A_31] : memref<2x1024x32xf32, #tpu.memory_space<vmem>> -> memref<1x128x32xf32, #tpu.memory_space<vmem>>
    %dma_start3A_33 = tpu.memref_squeeze %dma_start3A_32 : memref<1x128x32xf32, #tpu.memory_space<vmem>> -> memref<128x32xf32, #tpu.memory_space<vmem>>
    %dma_start3A_34 = arith.constant 256 : i32
    %dma_start3A_35 = tpu.memref_slice %arg5[%dma_start3A_28, %dma_start3A_34] : memref<2x1024xi32, #tpu.memory_space<vmem>> -> memref<1x128xi32, #tpu.memory_space<vmem>>
    %dma_start3A_36 = tpu.memref_squeeze %dma_start3A_35 : memref<1x128xi32, #tpu.memory_space<vmem>> -> memref<128xi32, #tpu.memory_space<vmem>>
    %dma_start3A_37 = arith.constant 0 : i32
    %dma_start3A_38 = arith.constant 0 : i32
    %dma_start3A_39 = tpu.memref_slice %arg3[%dma_start3A_37, %dma_start3A_38] : memref<1000000x32xf32, #tpu.memory_space<hbm>> -> memref<1000000x32xf32, #tpu.memory_space<hbm>>
    tpu.enqueue_indirect_dma source(%dma_start3A_39 : memref<1000000x32xf32, #tpu.memory_space<hbm>>) target(%dma_start3A_33 : memref<128x32xf32, #tpu.memory_space<vmem>>) offsets(%dma_start3A_36 : memref<128xi32, #tpu.memory_space<vmem>>) semaphore(%arg7 : memref<!tpu.dma_semaphore, #tpu.memory_space<semaphore_mem>>)
    %dma_start3A_40 = arith.constant 0 : i32
    %dma_start3A_41 = arith.constant 0 : i32
    %dma_start3A_42 = arith.constant 384 : i32
    %dma_start3A_43 = arith.constant 0 : i32
    %dma_start3A_44 = tpu.memref_slice %arg6[%dma_start3A_41, %dma_start3A_42, %dma_start3A_43] : memref<2x1024x32xf32, #tpu.memory_space<vmem>> -> memref<1x128x32xf32, #tpu.memory_space<vmem>>
    %dma_start3A_45 = tpu.memref_squeeze %dma_start3A_44 : memref<1x128x32xf32, #tpu.memory_space<vmem>> -> memref<128x32xf32, #tpu.memory_space<vmem>>
    %dma_start3A_46 = arith.constant 384 : i32
    %dma_start3A_47 = tpu.memref_slice %arg5[%dma_start3A_40, %dma_start3A_46] : memref<2x1024xi32, #tpu.memory_space<vmem>> -> memref<1x128xi32, #tpu.memory_space<vmem>>
    %dma_start3A_48 = tpu.memref_squeeze %dma_start3A_47 : memref<1x128xi32, #tpu.memory_space<vmem>> -> memref<128xi32, #tpu.memory_space<vmem>>
    %dma_start3A_49 = arith.constant 0 : i32
    %dma_start3A_50 = arith.constant 0 : i32
    %dma_start3A_51 = tpu.memref_slice %arg3[%dma_start3A_49, %dma_start3A_50] : memref<1000000x32xf32, #tpu.memory_space<hbm>> -> memref<1000000x32xf32, #tpu.memory_space<hbm>>
    tpu.enqueue_indirect_dma source(%dma_start3A_51 : memref<1000000x32xf32, #tpu.memory_space<hbm>>) target(%dma_start3A_45 : memref<128x32xf32, #tpu.memory_space<vmem>>) offsets(%dma_start3A_48 : memref<128xi32, #tpu.memory_space<vmem>>) semaphore(%arg7 : memref<!tpu.dma_semaphore, #tpu.memory_space<semaphore_mem>>)
    %dma_start3A_52 = arith.constant 0 : i32
    %dma_start3A_53 = arith.constant 0 : i32
    %dma_start3A_54 = arith.constant 512 : i32
    %dma_start3A_55 = arith.constant 0 : i32
    %dma_start3A_56 = tpu.memref_slice %arg6[%dma_start3A_53, %dma_start3A_54, %dma_start3A_55] : memref<2x1024x32xf32, #tpu.memory_space<vmem>> -> memref<1x128x32xf32, #tpu.memory_space<vmem>>
    %dma_start3A_57 = tpu.memref_squeeze %dma_start3A_56 : memref<1x128x32xf32, #tpu.memory_space<vmem>> -> memref<128x32xf32, #tpu.memory_space<vmem>>
    %dma_start3A_58 = arith.constant 512 : i32
    %dma_start3A_59 = tpu.memref_slice %arg5[%dma_start3A_52, %dma_start3A_58] : memref<2x1024xi32, #tpu.memory_space<vmem>> -> memref<1x128xi32, #tpu.memory_space<vmem>>
    %dma_start3A_60 = tpu.memref_squeeze %dma_start3A_59 : memref<1x128xi32, #tpu.memory_space<vmem>> -> memref<128xi32, #tpu.memory_space<vmem>>
    %dma_start3A_61 = arith.constant 0 : i32
    %dma_start3A_62 = arith.constant 0 : i32
    %dma_start3A_63 = tpu.memref_slice %arg3[%dma_start3A_61, %dma_start3A_62] : memref<1000000x32xf32, #tpu.memory_space<hbm>> -> memref<1000000x32xf32, #tpu.memory_space<hbm>>
    tpu.enqueue_indirect_dma source(%dma_start3A_63 : memref<1000000x32xf32, #tpu.memory_space<hbm>>) target(%dma_start3A_57 : memref<128x32xf32, #tpu.memory_space<vmem>>) offsets(%dma_start3A_60 : memref<128xi32, #tpu.memory_space<vmem>>) semaphore(%arg7 : memref<!tpu.dma_semaphore, #tpu.memory_space<semaphore_mem>>)
    %dma_start3A_64 = arith.constant 0 : i32
    %dma_start3A_65 = arith.constant 0 : i32
    %dma_start3A_66 = arith.constant 640 : i32
    %dma_start3A_67 = arith.constant 0 : i32
    %dma_start3A_68 = tpu.memref_slice %arg6[%dma_start3A_65, %dma_start3A_66, %dma_start3A_67] : memref<2x1024x32xf32, #tpu.memory_space<vmem>> -> memref<1x128x32xf32, #tpu.memory_space<vmem>>
    %dma_start3A_69 = tpu.memref_squeeze %dma_start3A_68 : memref<1x128x32xf32, #tpu.memory_space<vmem>> -> memref<128x32xf32, #tpu.memory_space<vmem>>
    %dma_start3A_70 = arith.constant 640 : i32
    %dma_start3A_71 = tpu.memref_slice %arg5[%dma_start3A_64, %dma_start3A_70] : memref<2x1024xi32, #tpu.memory_space<vmem>> -> memref<1x128xi32, #tpu.memory_space<vmem>>
    %dma_start3A_72 = tpu.memref_squeeze %dma_start3A_71 : memref<1x128xi32, #tpu.memory_space<vmem>> -> memref<128xi32, #tpu.memory_space<vmem>>
    %dma_start3A_73 = arith.constant 0 : i32
    %dma_start3A_74 = arith.constant 0 : i32
    %dma_start3A_75 = tpu.memref_slice %arg3[%dma_start3A_73, %dma_start3A_74] : memref<1000000x32xf32, #tpu.memory_space<hbm>> -> memref<1000000x32xf32, #tpu.memory_space<hbm>>
    tpu.enqueue_indirect_dma source(%dma_start3A_75 : memref<1000000x32xf32, #tpu.memory_space<hbm>>) target(%dma_start3A_69 : memref<128x32xf32, #tpu.memory_space<vmem>>) offsets(%dma_start3A_72 : memref<128xi32, #tpu.memory_space<vmem>>) semaphore(%arg7 : memref<!tpu.dma_semaphore, #tpu.memory_space<semaphore_mem>>)
    %dma_start3A_76 = arith.constant 0 : i32
    %dma_start3A_77 = arith.constant 0 : i32
    %dma_start3A_78 = arith.constant 768 : i32
    %dma_start3A_79 = arith.constant 0 : i32
    %dma_start3A_80 = tpu.memref_slice %arg6[%dma_start3A_77, %dma_start3A_78, %dma_start3A_79] : memref<2x1024x32xf32, #tpu.memory_space<vmem>> -> memref<1x128x32xf32, #tpu.memory_space<vmem>>
    %dma_start3A_81 = tpu.memref_squeeze %dma_start3A_80 : memref<1x128x32xf32, #tpu.memory_space<vmem>> -> memref<128x32xf32, #tpu.memory_space<vmem>>
    %dma_start3A_82 = arith.constant 768 : i32
    %dma_start3A_83 = tpu.memref_slice %arg5[%dma_start3A_76, %dma_start3A_82] : memref<2x1024xi32, #tpu.memory_space<vmem>> -> memref<1x128xi32, #tpu.memory_space<vmem>>
    %dma_start3A_84 = tpu.memref_squeeze %dma_start3A_83 : memref<1x128xi32, #tpu.memory_space<vmem>> -> memref<128xi32, #tpu.memory_space<vmem>>
    %dma_start3A_85 = arith.constant 0 : i32
    %dma_start3A_86 = arith.constant 0 : i32
    %dma_start3A_87 = tpu.memref_slice %arg3[%dma_start3A_85, %dma_start3A_86] : memref<1000000x32xf32, #tpu.memory_space<hbm>> -> memref<1000000x32xf32, #tpu.memory_space<hbm>>
    tpu.enqueue_indirect_dma source(%dma_start3A_87 : memref<1000000x32xf32, #tpu.memory_space<hbm>>) target(%dma_start3A_81 : memref<128x32xf32, #tpu.memory_space<vmem>>) offsets(%dma_start3A_84 : memref<128xi32, #tpu.memory_space<vmem>>) semaphore(%arg7 : memref<!tpu.dma_semaphore, #tpu.memory_space<semaphore_mem>>)
    %dma_start3A_88 = arith.constant 0 : i32
    %dma_start3A_89 = arith.constant 0 : i32
    %dma_start3A_90 = arith.constant 896 : i32
    %dma_start3A_91 = arith.constant 0 : i32
    %dma_start3A_92 = tpu.memref_slice %arg6[%dma_start3A_89, %dma_start3A_90, %dma_start3A_91] : memref<2x1024x32xf32, #tpu.memory_space<vmem>> -> memref<1x128x32xf32, #tpu.memory_space<vmem>>
    %dma_start3A_93 = tpu.memref_squeeze %dma_start3A_92 : memref<1x128x32xf32, #tpu.memory_space<vmem>> -> memref<128x32xf32, #tpu.memory_space<vmem>>
    %dma_start3A_94 = arith.constant 896 : i32
    %dma_start3A_95 = tpu.memref_slice %arg5[%dma_start3A_88, %dma_start3A_94] : memref<2x1024xi32, #tpu.memory_space<vmem>> -> memref<1x128xi32, #tpu.memory_space<vmem>>
    %dma_start3A_96 = tpu.memref_squeeze %dma_start3A_95 : memref<1x128xi32, #tpu.memory_space<vmem>> -> memref<128xi32, #tpu.memory_space<vmem>>
    %dma_start3A_97 = arith.constant 0 : i32
    %dma_start3A_98 = arith.constant 0 : i32
    %dma_start3A_99 = tpu.memref_slice %arg3[%dma_start3A_97, %dma_start3A_98] : memref<1000000x32xf32, #tpu.memory_space<hbm>> -> memref<1000000x32xf32, #tpu.memory_space<hbm>>
    tpu.enqueue_indirect_dma source(%dma_start3A_99 : memref<1000000x32xf32, #tpu.memory_space<hbm>>) target(%dma_start3A_93 : memref<128x32xf32, #tpu.memory_space<vmem>>) offsets(%dma_start3A_96 : memref<128xi32, #tpu.memory_space<vmem>>) semaphore(%arg7 : memref<!tpu.dma_semaphore, #tpu.memory_space<semaphore_mem>>)
    %scan3A = arith.constant 0 : i32
    %scan3A_100 = arith.constant 0 : i32
    %scan3A_101 = arith.constant 50 : i32
    %scan3A_102 = arith.addi %scan3A_100, %scan3A_101 : i32
    %scan3A_103 = arith.constant 1 : i32
    scf.for %scan3A_134 = %scan3A_100 to %scan3A_102 step %scan3A_103  : i32 {
      %mul3A_135 = arith.constant 2 : i32
      %mul3A_136 = arith.muli %mul3A_135, %scan3A_134 : i32
      %dma_wait3A_137 = arith.constant 0 : i32
      %dma_wait3A_138 = arith.constant 0 : i32
      %dma_wait3A_139 = arith.constant 0 : i32
      %dma_wait3A_140 = tpu.memref_slice %arg6[%dma_wait3A_137, %dma_wait3A_138, %dma_wait3A_139] : memref<2x1024x32xf32, #tpu.memory_space<vmem>> -> memref<1x1024x32xf32, #tpu.memory_space<vmem>>
      %dma_wait3A_141 = tpu.memref_squeeze %dma_wait3A_140 : memref<1x1024x32xf32, #tpu.memory_space<vmem>> -> memref<1024x32xf32, #tpu.memory_space<vmem>>
      %dma_wait3A_142 = arith.constant 0 : i32
      %dma_wait3A_143 = arith.constant 0 : i32
      %dma_wait3A_144 = tpu.memref_slice %arg3[%dma_wait3A_142, %dma_wait3A_143] : memref<1000000x32xf32, #tpu.memory_space<hbm>> -> memref<1024x32xf32, #tpu.memory_space<hbm>>
      %dma_wait3A_145 = arith.constant 0 : i32
      %dma_wait3A_146 = arith.constant 0 : i32
      %dma_wait3A_147 = tpu.memref_slice %arg6[%dma_wait3A_137, %dma_wait3A_145, %dma_wait3A_146] : memref<2x1024x32xf32, #tpu.memory_space<vmem>> -> memref<1x1024x32xf32, #tpu.memory_space<vmem>>
      %dma_wait3A_148 = tpu.memref_squeeze %dma_wait3A_147 : memref<1x1024x32xf32, #tpu.memory_space<vmem>> -> memref<1024x32xf32, #tpu.memory_space<vmem>>
      %dma_wait3A_149 = arith.constant 0 : i32
      %dma_wait3A_150 = arith.constant 0 : i32
      %dma_wait3A_151 = tpu.memref_slice %arg3[%dma_wait3A_149, %dma_wait3A_150] : memref<1000000x32xf32, #tpu.memory_space<hbm>> -> memref<1024x32xf32, #tpu.memory_space<hbm>>
      tpu.wait_dma2 semaphore(%arg7 : memref<!tpu.dma_semaphore, #tpu.memory_space<semaphore_mem>>) src(%dma_wait3A_151 : memref<1024x32xf32, #tpu.memory_space<hbm>>) dst(%dma_wait3A_148 : memref<1024x32xf32, #tpu.memory_space<vmem>>)
      %mul3A_152 = arith.constant 1024 : i32
      %mul3A_153 = arith.muli %mul3A_136, %mul3A_152 : i32
      %add3A_154 = arith.addi %mul3A_2, %mul3A_153 : i32
      %dma_start3A_155 = arith.constant 0 : i32
      %dma_start3A_156 = arith.constant 0 : i32
      %dma_start3A_157 = arith.constant 0 : i32
      %dma_start3A_158 = tpu.memref_slice %arg6[%dma_start3A_155, %dma_start3A_156, %dma_start3A_157] : memref<2x1024x32xf32, #tpu.memory_space<vmem>> -> memref<1x1024x32xf32, #tpu.memory_space<vmem>>
      %dma_start3A_159 = tpu.memref_squeeze %dma_start3A_158 : memref<1x1024x32xf32, #tpu.memory_space<vmem>> -> memref<1024x32xf32, #tpu.memory_space<vmem>>
      %dma_start3A_160 = arith.constant 0 : i32
      %dma_start3A_161 = tpu.memref_slice %arg4[%add3A_154, %dma_start3A_160] : memref<3276800x128xf32, #tpu.memory_space<hbm>> -> memref<1024x32xf32, #tpu.memory_space<hbm>>
      %dma_start3A_162 = arith.constant 0 : i32
      %dma_start3A_163 = tpu.memref_slice %arg4[%add3A_154, %dma_start3A_162] : memref<3276800x128xf32, #tpu.memory_space<hbm>> -> memref<1024x32xf32, #tpu.memory_space<hbm>>
      %dma_start3A_164 = arith.constant 0 : i32
      %dma_start3A_165 = arith.constant 0 : i32
      %dma_start3A_166 = tpu.memref_slice %arg6[%dma_start3A_155, %dma_start3A_164, %dma_start3A_165] : memref<2x1024x32xf32, #tpu.memory_space<vmem>> -> memref<1x1024x32xf32, #tpu.memory_space<vmem>>
      %dma_start3A_167 = tpu.memref_squeeze %dma_start3A_166 : memref<1x1024x32xf32, #tpu.memory_space<vmem>> -> memref<1024x32xf32, #tpu.memory_space<vmem>>
      tpu.enqueue_dma source(%dma_start3A_167 : memref<1024x32xf32, #tpu.memory_space<vmem>>) target(%dma_start3A_163 : memref<1024x32xf32, #tpu.memory_space<hbm>>) target_semaphore(%arg8 : memref<!tpu.dma_semaphore, #tpu.memory_space<semaphore_mem>>)
      %add3A_168 = arith.constant 1 : i32
      %add3A_169 = arith.addi %mul3A_136, %add3A_168 : i32
      %mul3A_170 = arith.constant 1024 : i32
      %mul3A_171 = arith.muli %add3A_169, %mul3A_170 : i32
      %add3A_172 = arith.addi %mul3A_2, %mul3A_171 : i32
      %run_scoped3A_173 = arith.constant 1 : i32
      "tpu.region"() ({
        %run_scoped3A_309 = tpu.sem_alloc : memref<!tpu.dma_semaphore, #tpu.memory_space<semaphore_mem>>
        %dma_start3A_310 = arith.constant 0 : i32
        %dma_start3A_311 = tpu.memref_slice %arg5[%run_scoped3A_173, %dma_start3A_310] : memref<2x1024xi32, #tpu.memory_space<vmem>> -> memref<1x1024xi32, #tpu.memory_space<vmem>>
        %dma_start3A_312 = tpu.memref_squeeze %dma_start3A_311 : memref<1x1024xi32, #tpu.memory_space<vmem>> -> memref<1024xi32, #tpu.memory_space<vmem>>
        %dma_start3A_313 = tpu.memref_slice %arg2[%add3A_172] : memref<3276800xi32, #tpu.memory_space<hbm>> -> memref<1024xi32, #tpu.memory_space<hbm>>
        %dma_start3A_314 = arith.constant 0 : i32
        %dma_start3A_315 = tpu.memref_slice %arg5[%run_scoped3A_173, %dma_start3A_314] : memref<2x1024xi32, #tpu.memory_space<vmem>> -> memref<1x1024xi32, #tpu.memory_space<vmem>>
        %dma_start3A_316 = tpu.memref_squeeze %dma_start3A_315 : memref<1x1024xi32, #tpu.memory_space<vmem>> -> memref<1024xi32, #tpu.memory_space<vmem>>
        %dma_start3A_317 = tpu.memref_slice %arg2[%add3A_172] : memref<3276800xi32, #tpu.memory_space<hbm>> -> memref<1024xi32, #tpu.memory_space<hbm>>
        tpu.enqueue_dma source(%dma_start3A_317 : memref<1024xi32, #tpu.memory_space<hbm>>) target(%dma_start3A_316 : memref<1024xi32, #tpu.memory_space<vmem>>) target_semaphore(%run_scoped3A_309 : memref<!tpu.dma_semaphore, #tpu.memory_space<semaphore_mem>>)
        %dma_wait3A_318 = arith.constant 0 : i32
        %dma_wait3A_319 = tpu.memref_slice %arg5[%run_scoped3A_173, %dma_wait3A_318] : memref<2x1024xi32, #tpu.memory_space<vmem>> -> memref<1x1024xi32, #tpu.memory_space<vmem>>
        %dma_wait3A_320 = tpu.memref_squeeze %dma_wait3A_319 : memref<1x1024xi32, #tpu.memory_space<vmem>> -> memref<1024xi32, #tpu.memory_space<vmem>>
        %dma_wait3A_321 = tpu.memref_slice %arg2[%add3A_172] : memref<3276800xi32, #tpu.memory_space<hbm>> -> memref<1024xi32, #tpu.memory_space<hbm>>
        %dma_wait3A_322 = arith.constant 0 : i32
        %dma_wait3A_323 = tpu.memref_slice %arg5[%run_scoped3A_173, %dma_wait3A_322] : memref<2x1024xi32, #tpu.memory_space<vmem>> -> memref<1x1024xi32, #tpu.memory_space<vmem>>
        %dma_wait3A_324 = tpu.memref_squeeze %dma_wait3A_323 : memref<1x1024xi32, #tpu.memory_space<vmem>> -> memref<1024xi32, #tpu.memory_space<vmem>>
        %dma_wait3A_325 = tpu.memref_slice %arg2[%add3A_172] : memref<3276800xi32, #tpu.memory_space<hbm>> -> memref<1024xi32, #tpu.memory_space<hbm>>
        tpu.wait_dma2 semaphore(%run_scoped3A_309 : memref<!tpu.dma_semaphore, #tpu.memory_space<semaphore_mem>>) src(%dma_wait3A_325 : memref<1024xi32, #tpu.memory_space<hbm>>) dst(%dma_wait3A_324 : memref<1024xi32, #tpu.memory_space<vmem>>)
        tpu.yield
      }) : () -> ()
      %gt3A = arith.constant 0 : i32
      %gt3A_174 = arith.cmpi sgt, %scan3A_134, %gt3A : i32
      %convert_element_type3A = arith.extui %gt3A_174 : i1 to i32
      %cond3A = arith.constant 0 : i32
      %cond3A_175 = arith.cmpi ne, %convert_element_type3A, %cond3A : i32
      scf.if %cond3A_175 {
        %dma_wait3A_309 = arith.constant 1 : i32
        %dma_wait3A_310 = arith.constant 0 : i32
        %dma_wait3A_311 = arith.constant 0 : i32
        %dma_wait3A_312 = tpu.memref_slice %arg6[%dma_wait3A_309, %dma_wait3A_310, %dma_wait3A_311] : memref<2x1024x32xf32, #tpu.memory_space<vmem>> -> memref<1x1024x32xf32, #tpu.memory_space<vmem>>
        %dma_wait3A_313 = tpu.memref_squeeze %dma_wait3A_312 : memref<1x1024x32xf32, #tpu.memory_space<vmem>> -> memref<1024x32xf32, #tpu.memory_space<vmem>>
        %dma_wait3A_314 = arith.constant 0 : i32
        %dma_wait3A_315 = arith.constant 0 : i32
        %dma_wait3A_316 = tpu.memref_slice %arg3[%dma_wait3A_314, %dma_wait3A_315] : memref<1000000x32xf32, #tpu.memory_space<hbm>> -> memref<1024x32xf32, #tpu.memory_space<hbm>>
        %dma_wait3A_317 = arith.constant 0 : i32
        %dma_wait3A_318 = arith.constant 0 : i32
        %dma_wait3A_319 = tpu.memref_slice %arg6[%dma_wait3A_309, %dma_wait3A_317, %dma_wait3A_318] : memref<2x1024x32xf32, #tpu.memory_space<vmem>> -> memref<1x1024x32xf32, #tpu.memory_space<vmem>>
        %dma_wait3A_320 = tpu.memref_squeeze %dma_wait3A_319 : memref<1x1024x32xf32, #tpu.memory_space<vmem>> -> memref<1024x32xf32, #tpu.memory_space<vmem>>
        %dma_wait3A_321 = arith.constant 0 : i32
        %dma_wait3A_322 = arith.constant 0 : i32
        %dma_wait3A_323 = tpu.memref_slice %arg3[%dma_wait3A_321, %dma_wait3A_322] : memref<1000000x32xf32, #tpu.memory_space<hbm>> -> memref<1024x32xf32, #tpu.memory_space<hbm>>
        tpu.wait_dma2 semaphore(%arg9 : memref<!tpu.dma_semaphore, #tpu.memory_space<semaphore_mem>>) src(%dma_wait3A_323 : memref<1024x32xf32, #tpu.memory_space<hbm>>) dst(%dma_wait3A_320 : memref<1024x32xf32, #tpu.memory_space<vmem>>)
      } else {
      }
      %dma_start3A_176 = arith.constant 1 : i32
      %dma_start3A_177 = arith.constant 1 : i32
      %dma_start3A_178 = arith.constant 0 : i32
      %dma_start3A_179 = arith.constant 0 : i32
      %dma_start3A_180 = tpu.memref_slice %arg6[%dma_start3A_177, %dma_start3A_178, %dma_start3A_179] : memref<2x1024x32xf32, #tpu.memory_space<vmem>> -> memref<1x128x32xf32, #tpu.memory_space<vmem>>
      %dma_start3A_181 = tpu.memref_squeeze %dma_start3A_180 : memref<1x128x32xf32, #tpu.memory_space<vmem>> -> memref<128x32xf32, #tpu.memory_space<vmem>>
      %dma_start3A_182 = arith.constant 0 : i32
      %dma_start3A_183 = tpu.memref_slice %arg5[%dma_start3A_176, %dma_start3A_182] : memref<2x1024xi32, #tpu.memory_space<vmem>> -> memref<1x128xi32, #tpu.memory_space<vmem>>
      %dma_start3A_184 = tpu.memref_squeeze %dma_start3A_183 : memref<1x128xi32, #tpu.memory_space<vmem>> -> memref<128xi32, #tpu.memory_space<vmem>>
      %dma_start3A_185 = arith.constant 0 : i32
      %dma_start3A_186 = arith.constant 0 : i32
      %dma_start3A_187 = tpu.memref_slice %arg3[%dma_start3A_185, %dma_start3A_186] : memref<1000000x32xf32, #tpu.memory_space<hbm>> -> memref<1000000x32xf32, #tpu.memory_space<hbm>>
      tpu.enqueue_indirect_dma source(%dma_start3A_187 : memref<1000000x32xf32, #tpu.memory_space<hbm>>) target(%dma_start3A_181 : memref<128x32xf32, #tpu.memory_space<vmem>>) offsets(%dma_start3A_184 : memref<128xi32, #tpu.memory_space<vmem>>) semaphore(%arg7 : memref<!tpu.dma_semaphore, #tpu.memory_space<semaphore_mem>>)
      %dma_start3A_188 = arith.constant 1 : i32
      %dma_start3A_189 = arith.constant 1 : i32
      %dma_start3A_190 = arith.constant 128 : i32
      %dma_start3A_191 = arith.constant 0 : i32
      %dma_start3A_192 = tpu.memref_slice %arg6[%dma_start3A_189, %dma_start3A_190, %dma_start3A_191] : memref<2x1024x32xf32, #tpu.memory_space<vmem>> -> memref<1x128x32xf32, #tpu.memory_space<vmem>>
      %dma_start3A_193 = tpu.memref_squeeze %dma_start3A_192 : memref<1x128x32xf32, #tpu.memory_space<vmem>> -> memref<128x32xf32, #tpu.memory_space<vmem>>
      %dma_start3A_194 = arith.constant 128 : i32
      %dma_start3A_195 = tpu.memref_slice %arg5[%dma_start3A_188, %dma_start3A_194] : memref<2x1024xi32, #tpu.memory_space<vmem>> -> memref<1x128xi32, #tpu.memory_space<vmem>>
      %dma_start3A_196 = tpu.memref_squeeze %dma_start3A_195 : memref<1x128xi32, #tpu.memory_space<vmem>> -> memref<128xi32, #tpu.memory_space<vmem>>
      %dma_start3A_197 = arith.constant 0 : i32
      %dma_start3A_198 = arith.constant 0 : i32
      %dma_start3A_199 = tpu.memref_slice %arg3[%dma_start3A_197, %dma_start3A_198] : memref<1000000x32xf32, #tpu.memory_space<hbm>> -> memref<1000000x32xf32, #tpu.memory_space<hbm>>
      tpu.enqueue_indirect_dma source(%dma_start3A_199 : memref<1000000x32xf32, #tpu.memory_space<hbm>>) target(%dma_start3A_193 : memref<128x32xf32, #tpu.memory_space<vmem>>) offsets(%dma_start3A_196 : memref<128xi32, #tpu.memory_space<vmem>>) semaphore(%arg7 : memref<!tpu.dma_semaphore, #tpu.memory_space<semaphore_mem>>)
      %dma_start3A_200 = arith.constant 1 : i32
      %dma_start3A_201 = arith.constant 1 : i32
      %dma_start3A_202 = arith.constant 256 : i32
      %dma_start3A_203 = arith.constant 0 : i32
      %dma_start3A_204 = tpu.memref_slice %arg6[%dma_start3A_201, %dma_start3A_202, %dma_start3A_203] : memref<2x1024x32xf32, #tpu.memory_space<vmem>> -> memref<1x128x32xf32, #tpu.memory_space<vmem>>
      %dma_start3A_205 = tpu.memref_squeeze %dma_start3A_204 : memref<1x128x32xf32, #tpu.memory_space<vmem>> -> memref<128x32xf32, #tpu.memory_space<vmem>>
      %dma_start3A_206 = arith.constant 256 : i32
      %dma_start3A_207 = tpu.memref_slice %arg5[%dma_start3A_200, %dma_start3A_206] : memref<2x1024xi32, #tpu.memory_space<vmem>> -> memref<1x128xi32, #tpu.memory_space<vmem>>
      %dma_start3A_208 = tpu.memref_squeeze %dma_start3A_207 : memref<1x128xi32, #tpu.memory_space<vmem>> -> memref<128xi32, #tpu.memory_space<vmem>>
      %dma_start3A_209 = arith.constant 0 : i32
      %dma_start3A_210 = arith.constant 0 : i32
      %dma_start3A_211 = tpu.memref_slice %arg3[%dma_start3A_209, %dma_start3A_210] : memref<1000000x32xf32, #tpu.memory_space<hbm>> -> memref<1000000x32xf32, #tpu.memory_space<hbm>>
      tpu.enqueue_indirect_dma source(%dma_start3A_211 : memref<1000000x32xf32, #tpu.memory_space<hbm>>) target(%dma_start3A_205 : memref<128x32xf32, #tpu.memory_space<vmem>>) offsets(%dma_start3A_208 : memref<128xi32, #tpu.memory_space<vmem>>) semaphore(%arg7 : memref<!tpu.dma_semaphore, #tpu.memory_space<semaphore_mem>>)
      %dma_start3A_212 = arith.constant 1 : i32
      %dma_start3A_213 = arith.constant 1 : i32
      %dma_start3A_214 = arith.constant 384 : i32
      %dma_start3A_215 = arith.constant 0 : i32
      %dma_start3A_216 = tpu.memref_slice %arg6[%dma_start3A_213, %dma_start3A_214, %dma_start3A_215] : memref<2x1024x32xf32, #tpu.memory_space<vmem>> -> memref<1x128x32xf32, #tpu.memory_space<vmem>>
      %dma_start3A_217 = tpu.memref_squeeze %dma_start3A_216 : memref<1x128x32xf32, #tpu.memory_space<vmem>> -> memref<128x32xf32, #tpu.memory_space<vmem>>
      %dma_start3A_218 = arith.constant 384 : i32
      %dma_start3A_219 = tpu.memref_slice %arg5[%dma_start3A_212, %dma_start3A_218] : memref<2x1024xi32, #tpu.memory_space<vmem>> -> memref<1x128xi32, #tpu.memory_space<vmem>>
      %dma_start3A_220 = tpu.memref_squeeze %dma_start3A_219 : memref<1x128xi32, #tpu.memory_space<vmem>> -> memref<128xi32, #tpu.memory_space<vmem>>
      %dma_start3A_221 = arith.constant 0 : i32
      %dma_start3A_222 = arith.constant 0 : i32
      %dma_start3A_223 = tpu.memref_slice %arg3[%dma_start3A_221, %dma_start3A_222] : memref<1000000x32xf32, #tpu.memory_space<hbm>> -> memref<1000000x32xf32, #tpu.memory_space<hbm>>
      tpu.enqueue_indirect_dma source(%dma_start3A_223 : memref<1000000x32xf32, #tpu.memory_space<hbm>>) target(%dma_start3A_217 : memref<128x32xf32, #tpu.memory_space<vmem>>) offsets(%dma_start3A_220 : memref<128xi32, #tpu.memory_space<vmem>>) semaphore(%arg7 : memref<!tpu.dma_semaphore, #tpu.memory_space<semaphore_mem>>)
      %dma_start3A_224 = arith.constant 1 : i32
      %dma_start3A_225 = arith.constant 1 : i32
      %dma_start3A_226 = arith.constant 512 : i32
      %dma_start3A_227 = arith.constant 0 : i32
      %dma_start3A_228 = tpu.memref_slice %arg6[%dma_start3A_225, %dma_start3A_226, %dma_start3A_227] : memref<2x1024x32xf32, #tpu.memory_space<vmem>> -> memref<1x128x32xf32, #tpu.memory_space<vmem>>
      %dma_start3A_229 = tpu.memref_squeeze %dma_start3A_228 : memref<1x128x32xf32, #tpu.memory_space<vmem>> -> memref<128x32xf32, #tpu.memory_space<vmem>>
      %dma_start3A_230 = arith.constant 512 : i32
      %dma_start3A_231 = tpu.memref_slice %arg5[%dma_start3A_224, %dma_start3A_230] : memref<2x1024xi32, #tpu.memory_space<vmem>> -> memref<1x128xi32, #tpu.memory_space<vmem>>
      %dma_start3A_232 = tpu.memref_squeeze %dma_start3A_231 : memref<1x128xi32, #tpu.memory_space<vmem>> -> memref<128xi32, #tpu.memory_space<vmem>>
      %dma_start3A_233 = arith.constant 0 : i32
      %dma_start3A_234 = arith.constant 0 : i32
      %dma_start3A_235 = tpu.memref_slice %arg3[%dma_start3A_233, %dma_start3A_234] : memref<1000000x32xf32, #tpu.memory_space<hbm>> -> memref<1000000x32xf32, #tpu.memory_space<hbm>>
      tpu.enqueue_indirect_dma source(%dma_start3A_235 : memref<1000000x32xf32, #tpu.memory_space<hbm>>) target(%dma_start3A_229 : memref<128x32xf32, #tpu.memory_space<vmem>>) offsets(%dma_start3A_232 : memref<128xi32, #tpu.memory_space<vmem>>) semaphore(%arg7 : memref<!tpu.dma_semaphore, #tpu.memory_space<semaphore_mem>>)
      %dma_start3A_236 = arith.constant 1 : i32
      %dma_start3A_237 = arith.constant 1 : i32
      %dma_start3A_238 = arith.constant 640 : i32
      %dma_start3A_239 = arith.constant 0 : i32
      %dma_start3A_240 = tpu.memref_slice %arg6[%dma_start3A_237, %dma_start3A_238, %dma_start3A_239] : memref<2x1024x32xf32, #tpu.memory_space<vmem>> -> memref<1x128x32xf32, #tpu.memory_space<vmem>>
      %dma_start3A_241 = tpu.memref_squeeze %dma_start3A_240 : memref<1x128x32xf32, #tpu.memory_space<vmem>> -> memref<128x32xf32, #tpu.memory_space<vmem>>
      %dma_start3A_242 = arith.constant 640 : i32
      %dma_start3A_243 = tpu.memref_slice %arg5[%dma_start3A_236, %dma_start3A_242] : memref<2x1024xi32, #tpu.memory_space<vmem>> -> memref<1x128xi32, #tpu.memory_space<vmem>>
      %dma_start3A_244 = tpu.memref_squeeze %dma_start3A_243 : memref<1x128xi32, #tpu.memory_space<vmem>> -> memref<128xi32, #tpu.memory_space<vmem>>
      %dma_start3A_245 = arith.constant 0 : i32
      %dma_start3A_246 = arith.constant 0 : i32
      %dma_start3A_247 = tpu.memref_slice %arg3[%dma_start3A_245, %dma_start3A_246] : memref<1000000x32xf32, #tpu.memory_space<hbm>> -> memref<1000000x32xf32, #tpu.memory_space<hbm>>
      tpu.enqueue_indirect_dma source(%dma_start3A_247 : memref<1000000x32xf32, #tpu.memory_space<hbm>>) target(%dma_start3A_241 : memref<128x32xf32, #tpu.memory_space<vmem>>) offsets(%dma_start3A_244 : memref<128xi32, #tpu.memory_space<vmem>>) semaphore(%arg7 : memref<!tpu.dma_semaphore, #tpu.memory_space<semaphore_mem>>)
      %dma_start3A_248 = arith.constant 1 : i32
      %dma_start3A_249 = arith.constant 1 : i32
      %dma_start3A_250 = arith.constant 768 : i32
      %dma_start3A_251 = arith.constant 0 : i32
      %dma_start3A_252 = tpu.memref_slice %arg6[%dma_start3A_249, %dma_start3A_250, %dma_start3A_251] : memref<2x1024x32xf32, #tpu.memory_space<vmem>> -> memref<1x128x32xf32, #tpu.memory_space<vmem>>
      %dma_start3A_253 = tpu.memref_squeeze %dma_start3A_252 : memref<1x128x32xf32, #tpu.memory_space<vmem>> -> memref<128x32xf32, #tpu.memory_space<vmem>>
      %dma_start3A_254 = arith.constant 768 : i32
      %dma_start3A_255 = tpu.memref_slice %arg5[%dma_start3A_248, %dma_start3A_254] : memref<2x1024xi32, #tpu.memory_space<vmem>> -> memref<1x128xi32, #tpu.memory_space<vmem>>
      %dma_start3A_256 = tpu.memref_squeeze %dma_start3A_255 : memref<1x128xi32, #tpu.memory_space<vmem>> -> memref<128xi32, #tpu.memory_space<vmem>>
      %dma_start3A_257 = arith.constant 0 : i32
      %dma_start3A_258 = arith.constant 0 : i32
      %dma_start3A_259 = tpu.memref_slice %arg3[%dma_start3A_257, %dma_start3A_258] : memref<1000000x32xf32, #tpu.memory_space<hbm>> -> memref<1000000x32xf32, #tpu.memory_space<hbm>>
      tpu.enqueue_indirect_dma source(%dma_start3A_259 : memref<1000000x32xf32, #tpu.memory_space<hbm>>) target(%dma_start3A_253 : memref<128x32xf32, #tpu.memory_space<vmem>>) offsets(%dma_start3A_256 : memref<128xi32, #tpu.memory_space<vmem>>) semaphore(%arg7 : memref<!tpu.dma_semaphore, #tpu.memory_space<semaphore_mem>>)
      %dma_start3A_260 = arith.constant 1 : i32
      %dma_start3A_261 = arith.constant 1 : i32
      %dma_start3A_262 = arith.constant 896 : i32
      %dma_start3A_263 = arith.constant 0 : i32
      %dma_start3A_264 = tpu.memref_slice %arg6[%dma_start3A_261, %dma_start3A_262, %dma_start3A_263] : memref<2x1024x32xf32, #tpu.memory_space<vmem>> -> memref<1x128x32xf32, #tpu.memory_space<vmem>>
      %dma_start3A_265 = tpu.memref_squeeze %dma_start3A_264 : memref<1x128x32xf32, #tpu.memory_space<vmem>> -> memref<128x32xf32, #tpu.memory_space<vmem>>
      %dma_start3A_266 = arith.constant 896 : i32
      %dma_start3A_267 = tpu.memref_slice %arg5[%dma_start3A_260, %dma_start3A_266] : memref<2x1024xi32, #tpu.memory_space<vmem>> -> memref<1x128xi32, #tpu.memory_space<vmem>>
      %dma_start3A_268 = tpu.memref_squeeze %dma_start3A_267 : memref<1x128xi32, #tpu.memory_space<vmem>> -> memref<128xi32, #tpu.memory_space<vmem>>
      %dma_start3A_269 = arith.constant 0 : i32
      %dma_start3A_270 = arith.constant 0 : i32
      %dma_start3A_271 = tpu.memref_slice %arg3[%dma_start3A_269, %dma_start3A_270] : memref<1000000x32xf32, #tpu.memory_space<hbm>> -> memref<1000000x32xf32, #tpu.memory_space<hbm>>
      tpu.enqueue_indirect_dma source(%dma_start3A_271 : memref<1000000x32xf32, #tpu.memory_space<hbm>>) target(%dma_start3A_265 : memref<128x32xf32, #tpu.memory_space<vmem>>) offsets(%dma_start3A_268 : memref<128xi32, #tpu.memory_space<vmem>>) semaphore(%arg7 : memref<!tpu.dma_semaphore, #tpu.memory_space<semaphore_mem>>)
      %dma_wait3A_272 = arith.constant 1 : i32
      %dma_wait3A_273 = arith.constant 0 : i32
      %dma_wait3A_274 = arith.constant 0 : i32
      %dma_wait3A_275 = tpu.memref_slice %arg6[%dma_wait3A_272, %dma_wait3A_273, %dma_wait3A_274] : memref<2x1024x32xf32, #tpu.memory_space<vmem>> -> memref<1x1024x32xf32, #tpu.memory_space<vmem>>
      %dma_wait3A_276 = tpu.memref_squeeze %dma_wait3A_275 : memref<1x1024x32xf32, #tpu.memory_space<vmem>> -> memref<1024x32xf32, #tpu.memory_space<vmem>>
      %dma_wait3A_277 = arith.constant 0 : i32
      %dma_wait3A_278 = arith.constant 0 : i32
      %dma_wait3A_279 = tpu.memref_slice %arg3[%dma_wait3A_277, %dma_wait3A_278] : memref<1000000x32xf32, #tpu.memory_space<hbm>> -> memref<1024x32xf32, #tpu.memory_space<hbm>>
      %dma_wait3A_280 = arith.constant 0 : i32
      %dma_wait3A_281 = arith.constant 0 : i32
      %dma_wait3A_282 = tpu.memref_slice %arg6[%dma_wait3A_272, %dma_wait3A_280, %dma_wait3A_281] : memref<2x1024x32xf32, #tpu.memory_space<vmem>> -> memref<1x1024x32xf32, #tpu.memory_space<vmem>>
      %dma_wait3A_283 = tpu.memref_squeeze %dma_wait3A_282 : memref<1x1024x32xf32, #tpu.memory_space<vmem>> -> memref<1024x32xf32, #tpu.memory_space<vmem>>
      %dma_wait3A_284 = arith.constant 0 : i32
      %dma_wait3A_285 = arith.constant 0 : i32
      %dma_wait3A_286 = tpu.memref_slice %arg3[%dma_wait3A_284, %dma_wait3A_285] : memref<1000000x32xf32, #tpu.memory_space<hbm>> -> memref<1024x32xf32, #tpu.memory_space<hbm>>
      tpu.wait_dma2 semaphore(%arg7 : memref<!tpu.dma_semaphore, #tpu.memory_space<semaphore_mem>>) src(%dma_wait3A_286 : memref<1024x32xf32, #tpu.memory_space<hbm>>) dst(%dma_wait3A_283 : memref<1024x32xf32, #tpu.memory_space<vmem>>)
      %add3A_287 = arith.constant 1 : i32
      %add3A_288 = arith.addi %mul3A_136, %add3A_287 : i32
      %mul3A_289 = arith.constant 1024 : i32
      %mul3A_290 = arith.muli %add3A_288, %mul3A_289 : i32
      %add3A_291 = arith.addi %mul3A_2, %mul3A_290 : i32
      %dma_start3A_292 = arith.constant 1 : i32
      %dma_start3A_293 = arith.constant 0 : i32
      %dma_start3A_294 = arith.constant 0 : i32
      %dma_start3A_295 = tpu.memref_slice %arg6[%dma_start3A_292, %dma_start3A_293, %dma_start3A_294] : memref<2x1024x32xf32, #tpu.memory_space<vmem>> -> memref<1x1024x32xf32, #tpu.memory_space<vmem>>
      %dma_start3A_296 = tpu.memref_squeeze %dma_start3A_295 : memref<1x1024x32xf32, #tpu.memory_space<vmem>> -> memref<1024x32xf32, #tpu.memory_space<vmem>>
      %dma_start3A_297 = arith.constant 0 : i32
      %dma_start3A_298 = tpu.memref_slice %arg4[%add3A_291, %dma_start3A_297] : memref<3276800x128xf32, #tpu.memory_space<hbm>> -> memref<1024x32xf32, #tpu.memory_space<hbm>>
      %dma_start3A_299 = arith.constant 0 : i32
      %dma_start3A_300 = tpu.memref_slice %arg4[%add3A_291, %dma_start3A_299] : memref<3276800x128xf32, #tpu.memory_space<hbm>> -> memref<1024x32xf32, #tpu.memory_space<hbm>>
      %dma_start3A_301 = arith.constant 0 : i32
      %dma_start3A_302 = arith.constant 0 : i32
      %dma_start3A_303 = tpu.memref_slice %arg6[%dma_start3A_292, %dma_start3A_301, %dma_start3A_302] : memref<2x1024x32xf32, #tpu.memory_space<vmem>> -> memref<1x1024x32xf32, #tpu.memory_space<vmem>>
      %dma_start3A_304 = tpu.memref_squeeze %dma_start3A_303 : memref<1x1024x32xf32, #tpu.memory_space<vmem>> -> memref<1024x32xf32, #tpu.memory_space<vmem>>
      tpu.enqueue_dma source(%dma_start3A_304 : memref<1024x32xf32, #tpu.memory_space<vmem>>) target(%dma_start3A_300 : memref<1024x32xf32, #tpu.memory_space<hbm>>) target_semaphore(%arg9 : memref<!tpu.dma_semaphore, #tpu.memory_space<semaphore_mem>>)
      %lt3A = arith.constant 49 : i32
      %lt3A_305 = arith.cmpi slt, %scan3A_134, %lt3A : i32
      %convert_element_type3A_306 = arith.extui %lt3A_305 : i1 to i32
      %cond3A_307 = arith.constant 0 : i32
      %cond3A_308 = arith.cmpi ne, %convert_element_type3A_306, %cond3A_307 : i32
      scf.if %cond3A_308 {
        %add3A_309 = arith.constant 2 : i32
        %add3A_310 = arith.addi %mul3A_136, %add3A_309 : i32
        %mul3A_311 = arith.constant 1024 : i32
        %mul3A_312 = arith.muli %add3A_310, %mul3A_311 : i32
        %add3A_313 = arith.addi %mul3A_2, %mul3A_312 : i32
        %run_scoped3A_314 = arith.constant 0 : i32
        "tpu.region"() ({
          %run_scoped3A_426 = tpu.sem_alloc : memref<!tpu.dma_semaphore, #tpu.memory_space<semaphore_mem>>
          %dma_start3A_427 = arith.constant 0 : i32
          %dma_start3A_428 = tpu.memref_slice %arg5[%run_scoped3A_314, %dma_start3A_427] : memref<2x1024xi32, #tpu.memory_space<vmem>> -> memref<1x1024xi32, #tpu.memory_space<vmem>>
          %dma_start3A_429 = tpu.memref_squeeze %dma_start3A_428 : memref<1x1024xi32, #tpu.memory_space<vmem>> -> memref<1024xi32, #tpu.memory_space<vmem>>
          %dma_start3A_430 = tpu.memref_slice %arg2[%add3A_313] : memref<3276800xi32, #tpu.memory_space<hbm>> -> memref<1024xi32, #tpu.memory_space<hbm>>
          %dma_start3A_431 = arith.constant 0 : i32
          %dma_start3A_432 = tpu.memref_slice %arg5[%run_scoped3A_314, %dma_start3A_431] : memref<2x1024xi32, #tpu.memory_space<vmem>> -> memref<1x1024xi32, #tpu.memory_space<vmem>>
          %dma_start3A_433 = tpu.memref_squeeze %dma_start3A_432 : memref<1x1024xi32, #tpu.memory_space<vmem>> -> memref<1024xi32, #tpu.memory_space<vmem>>
          %dma_start3A_434 = tpu.memref_slice %arg2[%add3A_313] : memref<3276800xi32, #tpu.memory_space<hbm>> -> memref<1024xi32, #tpu.memory_space<hbm>>
          tpu.enqueue_dma source(%dma_start3A_434 : memref<1024xi32, #tpu.memory_space<hbm>>) target(%dma_start3A_433 : memref<1024xi32, #tpu.memory_space<vmem>>) target_semaphore(%run_scoped3A_426 : memref<!tpu.dma_semaphore, #tpu.memory_space<semaphore_mem>>)
          %dma_wait3A_435 = arith.constant 0 : i32
          %dma_wait3A_436 = tpu.memref_slice %arg5[%run_scoped3A_314, %dma_wait3A_435] : memref<2x1024xi32, #tpu.memory_space<vmem>> -> memref<1x1024xi32, #tpu.memory_space<vmem>>
          %dma_wait3A_437 = tpu.memref_squeeze %dma_wait3A_436 : memref<1x1024xi32, #tpu.memory_space<vmem>> -> memref<1024xi32, #tpu.memory_space<vmem>>
          %dma_wait3A_438 = tpu.memref_slice %arg2[%add3A_313] : memref<3276800xi32, #tpu.memory_space<hbm>> -> memref<1024xi32, #tpu.memory_space<hbm>>
          %dma_wait3A_439 = arith.constant 0 : i32
          %dma_wait3A_440 = tpu.memref_slice %arg5[%run_scoped3A_314, %dma_wait3A_439] : memref<2x1024xi32, #tpu.memory_space<vmem>> -> memref<1x1024xi32, #tpu.memory_space<vmem>>
          %dma_wait3A_441 = tpu.memref_squeeze %dma_wait3A_440 : memref<1x1024xi32, #tpu.memory_space<vmem>> -> memref<1024xi32, #tpu.memory_space<vmem>>
          %dma_wait3A_442 = tpu.memref_slice %arg2[%add3A_313] : memref<3276800xi32, #tpu.memory_space<hbm>> -> memref<1024xi32, #tpu.memory_space<hbm>>
          tpu.wait_dma2 semaphore(%run_scoped3A_426 : memref<!tpu.dma_semaphore, #tpu.memory_space<semaphore_mem>>) src(%dma_wait3A_442 : memref<1024xi32, #tpu.memory_space<hbm>>) dst(%dma_wait3A_441 : memref<1024xi32, #tpu.memory_space<vmem>>)
          tpu.yield
        }) : () -> ()
        %dma_wait3A_315 = arith.constant 0 : i32
        %dma_wait3A_316 = arith.constant 0 : i32
        %dma_wait3A_317 = arith.constant 0 : i32
        %dma_wait3A_318 = tpu.memref_slice %arg6[%dma_wait3A_315, %dma_wait3A_316, %dma_wait3A_317] : memref<2x1024x32xf32, #tpu.memory_space<vmem>> -> memref<1x1024x32xf32, #tpu.memory_space<vmem>>
        %dma_wait3A_319 = tpu.memref_squeeze %dma_wait3A_318 : memref<1x1024x32xf32, #tpu.memory_space<vmem>> -> memref<1024x32xf32, #tpu.memory_space<vmem>>
        %dma_wait3A_320 = arith.constant 0 : i32
        %dma_wait3A_321 = arith.constant 0 : i32
        %dma_wait3A_322 = tpu.memref_slice %arg3[%dma_wait3A_320, %dma_wait3A_321] : memref<1000000x32xf32, #tpu.memory_space<hbm>> -> memref<1024x32xf32, #tpu.memory_space<hbm>>
        %dma_wait3A_323 = arith.constant 0 : i32
        %dma_wait3A_324 = arith.constant 0 : i32
        %dma_wait3A_325 = tpu.memref_slice %arg6[%dma_wait3A_315, %dma_wait3A_323, %dma_wait3A_324] : memref<2x1024x32xf32, #tpu.memory_space<vmem>> -> memref<1x1024x32xf32, #tpu.memory_space<vmem>>
        %dma_wait3A_326 = tpu.memref_squeeze %dma_wait3A_325 : memref<1x1024x32xf32, #tpu.memory_space<vmem>> -> memref<1024x32xf32, #tpu.memory_space<vmem>>
        %dma_wait3A_327 = arith.constant 0 : i32
        %dma_wait3A_328 = arith.constant 0 : i32
        %dma_wait3A_329 = tpu.memref_slice %arg3[%dma_wait3A_327, %dma_wait3A_328] : memref<1000000x32xf32, #tpu.memory_space<hbm>> -> memref<1024x32xf32, #tpu.memory_space<hbm>>
        tpu.wait_dma2 semaphore(%arg8 : memref<!tpu.dma_semaphore, #tpu.memory_space<semaphore_mem>>) src(%dma_wait3A_329 : memref<1024x32xf32, #tpu.memory_space<hbm>>) dst(%dma_wait3A_326 : memref<1024x32xf32, #tpu.memory_space<vmem>>)
        %dma_start3A_330 = arith.constant 0 : i32
        %dma_start3A_331 = arith.constant 0 : i32
        %dma_start3A_332 = arith.constant 0 : i32
        %dma_start3A_333 = arith.constant 0 : i32
        %dma_start3A_334 = tpu.memref_slice %arg6[%dma_start3A_331, %dma_start3A_332, %dma_start3A_333] : memref<2x1024x32xf32, #tpu.memory_space<vmem>> -> memref<1x128x32xf32, #tpu.memory_space<vmem>>
        %dma_start3A_335 = tpu.memref_squeeze %dma_start3A_334 : memref<1x128x32xf32, #tpu.memory_space<vmem>> -> memref<128x32xf32, #tpu.memory_space<vmem>>
        %dma_start3A_336 = arith.constant 0 : i32
        %dma_start3A_337 = tpu.memref_slice %arg5[%dma_start3A_330, %dma_start3A_336] : memref<2x1024xi32, #tpu.memory_space<vmem>> -> memref<1x128xi32, #tpu.memory_space<vmem>>
        %dma_start3A_338 = tpu.memref_squeeze %dma_start3A_337 : memref<1x128xi32, #tpu.memory_space<vmem>> -> memref<128xi32, #tpu.memory_space<vmem>>
        %dma_start3A_339 = arith.constant 0 : i32
        %dma_start3A_340 = arith.constant 0 : i32
        %dma_start3A_341 = tpu.memref_slice %arg3[%dma_start3A_339, %dma_start3A_340] : memref<1000000x32xf32, #tpu.memory_space<hbm>> -> memref<1000000x32xf32, #tpu.memory_space<hbm>>
        tpu.enqueue_indirect_dma source(%dma_start3A_341 : memref<1000000x32xf32, #tpu.memory_space<hbm>>) target(%dma_start3A_335 : memref<128x32xf32, #tpu.memory_space<vmem>>) offsets(%dma_start3A_338 : memref<128xi32, #tpu.memory_space<vmem>>) semaphore(%arg7 : memref<!tpu.dma_semaphore, #tpu.memory_space<semaphore_mem>>)
        %dma_start3A_342 = arith.constant 0 : i32
        %dma_start3A_343 = arith.constant 0 : i32
        %dma_start3A_344 = arith.constant 128 : i32
        %dma_start3A_345 = arith.constant 0 : i32
        %dma_start3A_346 = tpu.memref_slice %arg6[%dma_start3A_343, %dma_start3A_344, %dma_start3A_345] : memref<2x1024x32xf32, #tpu.memory_space<vmem>> -> memref<1x128x32xf32, #tpu.memory_space<vmem>>
        %dma_start3A_347 = tpu.memref_squeeze %dma_start3A_346 : memref<1x128x32xf32, #tpu.memory_space<vmem>> -> memref<128x32xf32, #tpu.memory_space<vmem>>
        %dma_start3A_348 = arith.constant 128 : i32
        %dma_start3A_349 = tpu.memref_slice %arg5[%dma_start3A_342, %dma_start3A_348] : memref<2x1024xi32, #tpu.memory_space<vmem>> -> memref<1x128xi32, #tpu.memory_space<vmem>>
        %dma_start3A_350 = tpu.memref_squeeze %dma_start3A_349 : memref<1x128xi32, #tpu.memory_space<vmem>> -> memref<128xi32, #tpu.memory_space<vmem>>
        %dma_start3A_351 = arith.constant 0 : i32
        %dma_start3A_352 = arith.constant 0 : i32
        %dma_start3A_353 = tpu.memref_slice %arg3[%dma_start3A_351, %dma_start3A_352] : memref<1000000x32xf32, #tpu.memory_space<hbm>> -> memref<1000000x32xf32, #tpu.memory_space<hbm>>
        tpu.enqueue_indirect_dma source(%dma_start3A_353 : memref<1000000x32xf32, #tpu.memory_space<hbm>>) target(%dma_start3A_347 : memref<128x32xf32, #tpu.memory_space<vmem>>) offsets(%dma_start3A_350 : memref<128xi32, #tpu.memory_space<vmem>>) semaphore(%arg7 : memref<!tpu.dma_semaphore, #tpu.memory_space<semaphore_mem>>)
        %dma_start3A_354 = arith.constant 0 : i32
        %dma_start3A_355 = arith.constant 0 : i32
        %dma_start3A_356 = arith.constant 256 : i32
        %dma_start3A_357 = arith.constant 0 : i32
        %dma_start3A_358 = tpu.memref_slice %arg6[%dma_start3A_355, %dma_start3A_356, %dma_start3A_357] : memref<2x1024x32xf32, #tpu.memory_space<vmem>> -> memref<1x128x32xf32, #tpu.memory_space<vmem>>
        %dma_start3A_359 = tpu.memref_squeeze %dma_start3A_358 : memref<1x128x32xf32, #tpu.memory_space<vmem>> -> memref<128x32xf32, #tpu.memory_space<vmem>>
        %dma_start3A_360 = arith.constant 256 : i32
        %dma_start3A_361 = tpu.memref_slice %arg5[%dma_start3A_354, %dma_start3A_360] : memref<2x1024xi32, #tpu.memory_space<vmem>> -> memref<1x128xi32, #tpu.memory_space<vmem>>
        %dma_start3A_362 = tpu.memref_squeeze %dma_start3A_361 : memref<1x128xi32, #tpu.memory_space<vmem>> -> memref<128xi32, #tpu.memory_space<vmem>>
        %dma_start3A_363 = arith.constant 0 : i32
        %dma_start3A_364 = arith.constant 0 : i32
        %dma_start3A_365 = tpu.memref_slice %arg3[%dma_start3A_363, %dma_start3A_364] : memref<1000000x32xf32, #tpu.memory_space<hbm>> -> memref<1000000x32xf32, #tpu.memory_space<hbm>>
        tpu.enqueue_indirect_dma source(%dma_start3A_365 : memref<1000000x32xf32, #tpu.memory_space<hbm>>) target(%dma_start3A_359 : memref<128x32xf32, #tpu.memory_space<vmem>>) offsets(%dma_start3A_362 : memref<128xi32, #tpu.memory_space<vmem>>) semaphore(%arg7 : memref<!tpu.dma_semaphore, #tpu.memory_space<semaphore_mem>>)
        %dma_start3A_366 = arith.constant 0 : i32
        %dma_start3A_367 = arith.constant 0 : i32
        %dma_start3A_368 = arith.constant 384 : i32
        %dma_start3A_369 = arith.constant 0 : i32
        %dma_start3A_370 = tpu.memref_slice %arg6[%dma_start3A_367, %dma_start3A_368, %dma_start3A_369] : memref<2x1024x32xf32, #tpu.memory_space<vmem>> -> memref<1x128x32xf32, #tpu.memory_space<vmem>>
        %dma_start3A_371 = tpu.memref_squeeze %dma_start3A_370 : memref<1x128x32xf32, #tpu.memory_space<vmem>> -> memref<128x32xf32, #tpu.memory_space<vmem>>
        %dma_start3A_372 = arith.constant 384 : i32
        %dma_start3A_373 = tpu.memref_slice %arg5[%dma_start3A_366, %dma_start3A_372] : memref<2x1024xi32, #tpu.memory_space<vmem>> -> memref<1x128xi32, #tpu.memory_space<vmem>>
        %dma_start3A_374 = tpu.memref_squeeze %dma_start3A_373 : memref<1x128xi32, #tpu.memory_space<vmem>> -> memref<128xi32, #tpu.memory_space<vmem>>
        %dma_start3A_375 = arith.constant 0 : i32
        %dma_start3A_376 = arith.constant 0 : i32
        %dma_start3A_377 = tpu.memref_slice %arg3[%dma_start3A_375, %dma_start3A_376] : memref<1000000x32xf32, #tpu.memory_space<hbm>> -> memref<1000000x32xf32, #tpu.memory_space<hbm>>
        tpu.enqueue_indirect_dma source(%dma_start3A_377 : memref<1000000x32xf32, #tpu.memory_space<hbm>>) target(%dma_start3A_371 : memref<128x32xf32, #tpu.memory_space<vmem>>) offsets(%dma_start3A_374 : memref<128xi32, #tpu.memory_space<vmem>>) semaphore(%arg7 : memref<!tpu.dma_semaphore, #tpu.memory_space<semaphore_mem>>)
        %dma_start3A_378 = arith.constant 0 : i32
        %dma_start3A_379 = arith.constant 0 : i32
        %dma_start3A_380 = arith.constant 512 : i32
        %dma_start3A_381 = arith.constant 0 : i32
        %dma_start3A_382 = tpu.memref_slice %arg6[%dma_start3A_379, %dma_start3A_380, %dma_start3A_381] : memref<2x1024x32xf32, #tpu.memory_space<vmem>> -> memref<1x128x32xf32, #tpu.memory_space<vmem>>
        %dma_start3A_383 = tpu.memref_squeeze %dma_start3A_382 : memref<1x128x32xf32, #tpu.memory_space<vmem>> -> memref<128x32xf32, #tpu.memory_space<vmem>>
        %dma_start3A_384 = arith.constant 512 : i32
        %dma_start3A_385 = tpu.memref_slice %arg5[%dma_start3A_378, %dma_start3A_384] : memref<2x1024xi32, #tpu.memory_space<vmem>> -> memref<1x128xi32, #tpu.memory_space<vmem>>
        %dma_start3A_386 = tpu.memref_squeeze %dma_start3A_385 : memref<1x128xi32, #tpu.memory_space<vmem>> -> memref<128xi32, #tpu.memory_space<vmem>>
        %dma_start3A_387 = arith.constant 0 : i32
        %dma_start3A_388 = arith.constant 0 : i32
        %dma_start3A_389 = tpu.memref_slice %arg3[%dma_start3A_387, %dma_start3A_388] : memref<1000000x32xf32, #tpu.memory_space<hbm>> -> memref<1000000x32xf32, #tpu.memory_space<hbm>>
        tpu.enqueue_indirect_dma source(%dma_start3A_389 : memref<1000000x32xf32, #tpu.memory_space<hbm>>) target(%dma_start3A_383 : memref<128x32xf32, #tpu.memory_space<vmem>>) offsets(%dma_start3A_386 : memref<128xi32, #tpu.memory_space<vmem>>) semaphore(%arg7 : memref<!tpu.dma_semaphore, #tpu.memory_space<semaphore_mem>>)
        %dma_start3A_390 = arith.constant 0 : i32
        %dma_start3A_391 = arith.constant 0 : i32
        %dma_start3A_392 = arith.constant 640 : i32
        %dma_start3A_393 = arith.constant 0 : i32
        %dma_start3A_394 = tpu.memref_slice %arg6[%dma_start3A_391, %dma_start3A_392, %dma_start3A_393] : memref<2x1024x32xf32, #tpu.memory_space<vmem>> -> memref<1x128x32xf32, #tpu.memory_space<vmem>>
        %dma_start3A_395 = tpu.memref_squeeze %dma_start3A_394 : memref<1x128x32xf32, #tpu.memory_space<vmem>> -> memref<128x32xf32, #tpu.memory_space<vmem>>
        %dma_start3A_396 = arith.constant 640 : i32
        %dma_start3A_397 = tpu.memref_slice %arg5[%dma_start3A_390, %dma_start3A_396] : memref<2x1024xi32, #tpu.memory_space<vmem>> -> memref<1x128xi32, #tpu.memory_space<vmem>>
        %dma_start3A_398 = tpu.memref_squeeze %dma_start3A_397 : memref<1x128xi32, #tpu.memory_space<vmem>> -> memref<128xi32, #tpu.memory_space<vmem>>
        %dma_start3A_399 = arith.constant 0 : i32
        %dma_start3A_400 = arith.constant 0 : i32
        %dma_start3A_401 = tpu.memref_slice %arg3[%dma_start3A_399, %dma_start3A_400] : memref<1000000x32xf32, #tpu.memory_space<hbm>> -> memref<1000000x32xf32, #tpu.memory_space<hbm>>
        tpu.enqueue_indirect_dma source(%dma_start3A_401 : memref<1000000x32xf32, #tpu.memory_space<hbm>>) target(%dma_start3A_395 : memref<128x32xf32, #tpu.memory_space<vmem>>) offsets(%dma_start3A_398 : memref<128xi32, #tpu.memory_space<vmem>>) semaphore(%arg7 : memref<!tpu.dma_semaphore, #tpu.memory_space<semaphore_mem>>)
        %dma_start3A_402 = arith.constant 0 : i32
        %dma_start3A_403 = arith.constant 0 : i32
        %dma_start3A_404 = arith.constant 768 : i32
        %dma_start3A_405 = arith.constant 0 : i32
        %dma_start3A_406 = tpu.memref_slice %arg6[%dma_start3A_403, %dma_start3A_404, %dma_start3A_405] : memref<2x1024x32xf32, #tpu.memory_space<vmem>> -> memref<1x128x32xf32, #tpu.memory_space<vmem>>
        %dma_start3A_407 = tpu.memref_squeeze %dma_start3A_406 : memref<1x128x32xf32, #tpu.memory_space<vmem>> -> memref<128x32xf32, #tpu.memory_space<vmem>>
        %dma_start3A_408 = arith.constant 768 : i32
        %dma_start3A_409 = tpu.memref_slice %arg5[%dma_start3A_402, %dma_start3A_408] : memref<2x1024xi32, #tpu.memory_space<vmem>> -> memref<1x128xi32, #tpu.memory_space<vmem>>
        %dma_start3A_410 = tpu.memref_squeeze %dma_start3A_409 : memref<1x128xi32, #tpu.memory_space<vmem>> -> memref<128xi32, #tpu.memory_space<vmem>>
        %dma_start3A_411 = arith.constant 0 : i32
        %dma_start3A_412 = arith.constant 0 : i32
        %dma_start3A_413 = tpu.memref_slice %arg3[%dma_start3A_411, %dma_start3A_412] : memref<1000000x32xf32, #tpu.memory_space<hbm>> -> memref<1000000x32xf32, #tpu.memory_space<hbm>>
        tpu.enqueue_indirect_dma source(%dma_start3A_413 : memref<1000000x32xf32, #tpu.memory_space<hbm>>) target(%dma_start3A_407 : memref<128x32xf32, #tpu.memory_space<vmem>>) offsets(%dma_start3A_410 : memref<128xi32, #tpu.memory_space<vmem>>) semaphore(%arg7 : memref<!tpu.dma_semaphore, #tpu.memory_space<semaphore_mem>>)
        %dma_start3A_414 = arith.constant 0 : i32
        %dma_start3A_415 = arith.constant 0 : i32
        %dma_start3A_416 = arith.constant 896 : i32
        %dma_start3A_417 = arith.constant 0 : i32
        %dma_start3A_418 = tpu.memref_slice %arg6[%dma_start3A_415, %dma_start3A_416, %dma_start3A_417] : memref<2x1024x32xf32, #tpu.memory_space<vmem>> -> memref<1x128x32xf32, #tpu.memory_space<vmem>>
        %dma_start3A_419 = tpu.memref_squeeze %dma_start3A_418 : memref<1x128x32xf32, #tpu.memory_space<vmem>> -> memref<128x32xf32, #tpu.memory_space<vmem>>
        %dma_start3A_420 = arith.constant 896 : i32
        %dma_start3A_421 = tpu.memref_slice %arg5[%dma_start3A_414, %dma_start3A_420] : memref<2x1024xi32, #tpu.memory_space<vmem>> -> memref<1x128xi32, #tpu.memory_space<vmem>>
        %dma_start3A_422 = tpu.memref_squeeze %dma_start3A_421 : memref<1x128xi32, #tpu.memory_space<vmem>> -> memref<128xi32, #tpu.memory_space<vmem>>
        %dma_start3A_423 = arith.constant 0 : i32
        %dma_start3A_424 = arith.constant 0 : i32
        %dma_start3A_425 = tpu.memref_slice %arg3[%dma_start3A_423, %dma_start3A_424] : memref<1000000x32xf32, #tpu.memory_space<hbm>> -> memref<1000000x32xf32, #tpu.memory_space<hbm>>
        tpu.enqueue_indirect_dma source(%dma_start3A_425 : memref<1000000x32xf32, #tpu.memory_space<hbm>>) target(%dma_start3A_419 : memref<128x32xf32, #tpu.memory_space<vmem>>) offsets(%dma_start3A_422 : memref<128xi32, #tpu.memory_space<vmem>>) semaphore(%arg7 : memref<!tpu.dma_semaphore, #tpu.memory_space<semaphore_mem>>)
      } else {
      }
    }
    %scan3A_104 = arith.constant 50 : i32
    %dma_wait3A = arith.constant 0 : i32
    %dma_wait3A_105 = arith.constant 0 : i32
    %dma_wait3A_106 = arith.constant 0 : i32
    %dma_wait3A_107 = tpu.memref_slice %arg6[%dma_wait3A, %dma_wait3A_105, %dma_wait3A_106] : memref<2x1024x32xf32, #tpu.memory_space<vmem>> -> memref<1x1024x32xf32, #tpu.memory_space<vmem>>
    %dma_wait3A_108 = tpu.memref_squeeze %dma_wait3A_107 : memref<1x1024x32xf32, #tpu.memory_space<vmem>> -> memref<1024x32xf32, #tpu.memory_space<vmem>>
    %dma_wait3A_109 = arith.constant 0 : i32
    %dma_wait3A_110 = arith.constant 0 : i32
    %dma_wait3A_111 = tpu.memref_slice %arg3[%dma_wait3A_109, %dma_wait3A_110] : memref<1000000x32xf32, #tpu.memory_space<hbm>> -> memref<1024x32xf32, #tpu.memory_space<hbm>>
    %dma_wait3A_112 = arith.constant 0 : i32
    %dma_wait3A_113 = arith.constant 0 : i32
    %dma_wait3A_114 = tpu.memref_slice %arg6[%dma_wait3A, %dma_wait3A_112, %dma_wait3A_113] : memref<2x1024x32xf32, #tpu.memory_space<vmem>> -> memref<1x1024x32xf32, #tpu.memory_space<vmem>>
    %dma_wait3A_115 = tpu.memref_squeeze %dma_wait3A_114 : memref<1x1024x32xf32, #tpu.memory_space<vmem>> -> memref<1024x32xf32, #tpu.memory_space<vmem>>
    %dma_wait3A_116 = arith.constant 0 : i32
    %dma_wait3A_117 = arith.constant 0 : i32
    %dma_wait3A_118 = tpu.memref_slice %arg3[%dma_wait3A_116, %dma_wait3A_117] : memref<1000000x32xf32, #tpu.memory_space<hbm>> -> memref<1024x32xf32, #tpu.memory_space<hbm>>
    tpu.wait_dma2 semaphore(%arg8 : memref<!tpu.dma_semaphore, #tpu.memory_space<semaphore_mem>>) src(%dma_wait3A_118 : memref<1024x32xf32, #tpu.memory_space<hbm>>) dst(%dma_wait3A_115 : memref<1024x32xf32, #tpu.memory_space<vmem>>)
    %dma_wait3A_119 = arith.constant 1 : i32
    %dma_wait3A_120 = arith.constant 0 : i32
    %dma_wait3A_121 = arith.constant 0 : i32
    %dma_wait3A_122 = tpu.memref_slice %arg6[%dma_wait3A_119, %dma_wait3A_120, %dma_wait3A_121] : memref<2x1024x32xf32, #tpu.memory_space<vmem>> -> memref<1x1024x32xf32, #tpu.memory_space<vmem>>
    %dma_wait3A_123 = tpu.memref_squeeze %dma_wait3A_122 : memref<1x1024x32xf32, #tpu.memory_space<vmem>> -> memref<1024x32xf32, #tpu.memory_space<vmem>>
    %dma_wait3A_124 = arith.constant 0 : i32
    %dma_wait3A_125 = arith.constant 0 : i32
    %dma_wait3A_126 = tpu.memref_slice %arg3[%dma_wait3A_124, %dma_wait3A_125] : memref<1000000x32xf32, #tpu.memory_space<hbm>> -> memref<1024x32xf32, #tpu.memory_space<hbm>>
    %dma_wait3A_127 = arith.constant 0 : i32
    %dma_wait3A_128 = arith.constant 0 : i32
    %dma_wait3A_129 = tpu.memref_slice %arg6[%dma_wait3A_119, %dma_wait3A_127, %dma_wait3A_128] : memref<2x1024x32xf32, #tpu.memory_space<vmem>> -> memref<1x1024x32xf32, #tpu.memory_space<vmem>>
    %dma_wait3A_130 = tpu.memref_squeeze %dma_wait3A_129 : memref<1x1024x32xf32, #tpu.memory_space<vmem>> -> memref<1024x32xf32, #tpu.memory_space<vmem>>
    %dma_wait3A_131 = arith.constant 0 : i32
    %dma_wait3A_132 = arith.constant 0 : i32
    %dma_wait3A_133 = tpu.memref_slice %arg3[%dma_wait3A_131, %dma_wait3A_132] : memref<1000000x32xf32, #tpu.memory_space<hbm>> -> memref<1024x32xf32, #tpu.memory_space<hbm>>
    tpu.wait_dma2 semaphore(%arg9 : memref<!tpu.dma_semaphore, #tpu.memory_space<semaphore_mem>>) src(%dma_wait3A_133 : memref<1024x32xf32, #tpu.memory_space<hbm>>) dst(%dma_wait3A_130 : memref<1024x32xf32, #tpu.memory_space<vmem>>)
    return
  }
}

</mosaic_0001>

<sc_bundles>
// kernel: kernel.3.cloned.1.call-start
scs
__scs_entry_jumppad:
0x0: {  	(pc) =	sbr.rel $0x88, $3  }
0x1: {  	(tag) =	ssettag $0x0;
	lr =	simm.s32 $0x1  }
0x2: {  	[smem:$0x3F9F] =	sst lr;
	_ =	strace $0xD0000000  }
0x3: {  	_ = 	snop  }
0x4: {  	_ = 	snop  }
0x5: {  	_ = 	snop  }
0x6: {  	_ = 	snop  }
0x7: {  	_ = 	snop  }
__scs_overlays_trampoline_lowered:
0x8: {  	[smem:$0x3FAE] =	sst s0  }
0x9: {  	[smem:$0x3FAF] =	sst s1  }
0xa: {  	[smem:$0x3FB0] =	sst s2  }
0xb: {  	[smem:$0x3FB1] =	sst s3  }
0xc: {  	[smem:$0x3FB2] =	sst s4  }
0xd: {  	[smem:$0x3FB3] =	sst s5  }
0xe: {  	[smem:$0x3FB4] =	sst s6  }
0xf: {  	[smem:$0x3FB5] =	sst s7  }
0x10: {  	[smem:$0x3FB6] =	sst s8  }
0x11: {  	[smem:$0x3FB7] =	sst s9;
	s0 =	simm.s32 @!p0 $0x0  }
0x12: {  	s1 =	sld [smem:$0x3F9D];
	s0 =	simm.s32 @p0 $0x1  }
0x13: {  	[smem:$0x3FB8] =	sst s0;
	s0 =	simm.s32 @!p1 $0x0  }
0x14: {  	s2 =	sld [smem:$0x3F9C];
	s0 =	simm.s32 @p1 $0x1  }
0x15: {  	[smem:$0x3FB9] =	sst s0;
	s0 =	simm.s32 @!p2 $0x0  }
0x16: {  	s3 =	sld [smem:$0x3FDB];
	s0 =	simm.s32 @p2 $0x1  }
0x17: {  	s4 =	simm.s32 $0x1BF5;
	[smem:$0x3FBB] =	sst s0  }
0x18: {  	s0 =	sld [smem:$0x3F9E];
	_ =	swait.ge [sflag:s4], $0x0  }
0x19: {  	s7 =	sld [smem:$0x3F9F]  }
0x1a: {  	s8 =	sadd.s32 $0xFFFFE003, lr  }
0x1b: {  	s9 =	sadd.s32 $0xFFFFFEF7, lr;
	s5 =	simm.s32 $0xFFFFFFFF;
	p2 =	slt.u32 s8, $0xFFFFF086  }
0x1c: {  	p1 =	slt.u32 s9, $0xF7A;
	s5 =	simm.s32 @!p2 $0x0  }
0x1d: {  	s5 =	simm.s32 @p1 $0x1;
	p0 =	seq.s32 s7, s2  }
0x1e: {  	s7 =	smul.u32 @!p0 $0xF7A, s2;
	p2 =	seq.s32 @!p0 s5, $0x0  }
0x1f: {  	s9 =	smul.u32 $0xF7A, s1;
	s8 =	simm.s32 @!p0 $0x1BF5;
	p2 =	por !p2, p0  }
0x20: {  	[sflag:s8] =	ssyncset.s32 @!p0 $0xFFFFF086;
	s6 =	sadd.s32 @!p0 s3, s7;
	s7 =	simm.s32 @!p0 $0x108  }
0x21: {  	s3 =	sadd.s32 s3, s9;
	s6 =	sadd.s32 @!p0 $0x88, s6;
	s7 =	simm.s32 @p2 $0x1082  }
0x22: {  	[simem:s7], [sflag:s8] =	dma.local @!p0 [hbm:s6], $0xF7A  }
0x23: {  	s9 =	sor.u32 $0xD0000000, s2;
	s6 =	simm.s32 $0x108;
	_ =	swait.ge @!p0 [sflag:s8], $0x0  }
0x24: {  	s3 =	sadd.s32 $0x88, s3;
	s6 =	simm.s32 @!p1 $0x1082;
	[sflag:s4] =	ssyncset.s32 $0xFFFFF086  }
0x25: {  	[simem:s6], [sflag:s4] =	dma.local [hbm:s3], $0xF7A  }
0x26: {  	[smem:$0x3F9F] =	sst s1;
	(tag) =	ssettag s2;
	_ =	strace s9  }
0x27: {  	s1 =	sld [smem:$0x3FAF]  }
0x28: {  	s2 =	sld [smem:$0x3FB0]  }
0x29: {  	s4 =	sld [smem:$0x3FB2]  }
0x2a: {  	p0 =	seq.s32 s5, $0x0;
	s5 =	sld [smem:$0x3FB3]  }
0x2b: {  	s6 =	sld [smem:$0x3FB4]  }
0x2c: {  	s7 =	sld [smem:$0x3FB5]  }
0x2d: {  	s3 =	simm.s32 $0x108;
	s8 =	sld [smem:$0x3FB6]  }
0x2e: {  	s3 =	simm.s32 @!p0 $0x1082;
	s9 =	sld [smem:$0x3FB7]  }
0x2f: {  	lr =	sadd.s32 s0, s3;
	s0 =	sld [smem:$0x3FAE]  }
0x30: {  	s3 =	sld [smem:$0x3FB1]  }
0x31: {  	[smem:$0x3FBA] =	sst s10  }
0x32: {  	s10 =	sld [smem:$0x3FB8];
	_ =	sdelay $0x3  }
0x33: {  	p0 =	seq.s32 s10, $0x1;
	s10 =	sld [smem:$0x3FBA];
	_ =	sdelay $0x3  }
0x34: {  	[smem:$0x3FBA] =	sst s10  }
0x35: {  	s10 =	sld [smem:$0x3FB9];
	_ =	sdelay $0x3  }
0x36: {  	p1 =	seq.s32 s10, $0x1;
	s10 =	sld [smem:$0x3FBA];
	_ =	sdelay $0x3  }
0x37: {  	[smem:$0x3FBA] =	sst s10  }
0x38: {  	s10 =	sld [smem:$0x3FBB]  }
0x39: {  	_ = 	snop;
	(pc) =	sbr.ind lr, $3  }
0x3a: {  	_ = 	snop  }
0x3b: {  	_ = 	snop  }
0x3c: {  	p2 =	seq.s32 s10, $0x1;
	s10 =	sld [smem:$0x3FBA]  }
0x3d: {  	_ =	shalt  }
0x3e: {  	_ =	shalt  }
0x3f: {  	_ =	shalt  }
0x40: {  	_ =	shalt  }
0x41: {  	_ =	shalt  }
0x42: {  	_ =	shalt  }
0x43: {  	_ =	shalt  }
0x44: {  	_ =	shalt  }
0x45: {  	_ =	shalt  }
0x46: {  	_ =	shalt  }
0x47: {  	_ =	shalt  }
0x48: {  	_ =	shalt  }
0x49: {  	_ =	shalt  }
0x4a: {  	_ =	shalt  }
0x4b: {  	_ =	shalt  }
0x4c: {  	_ =	shalt  }
0x4d: {  	_ =	shalt  }
0x4e: {  	_ =	shalt  }
0x4f: {  	_ =	shalt  }
0x50: {  	_ =	shalt  }
0x51: {  	_ =	shalt  }
0x52: {  	_ =	shalt  }
0x53: {  	_ =	shalt  }
0x54: {  	_ =	shalt  }
0x55: {  	_ =	shalt  }
0x56: {  	_ =	shalt  }
0x57: {  	_ =	shalt  }
0x58: {  	_ =	shalt  }
0x59: {  	_ =	shalt  }
0x5a: {  	_ =	shalt  }
0x5b: {  	_ =	shalt  }
0x5c: {  	_ =	shalt  }
0x5d: {  	_ =	shalt  }
0x5e: {  	_ =	shalt  }
0x5f: {  	_ =	shalt  }
0x60: {  	_ =	shalt  }
0x61: {  	_ =	shalt  }
0x62: {  	_ =	shalt  }
0x63: {  	_ =	shalt  }
0x64: {  	_ =	shalt  }
0x65: {  	_ =	shalt  }
0x66: {  	_ =	shalt  }
0x67: {  	_ =	shalt  }
0x68: {  	_ =	shalt  }
0x69: {  	_ =	shalt  }
0x6a: {  	_ =	shalt  }
0x6b: {  	_ =	shalt  }
0x6c: {  	_ =	shalt  }
0x6d: {  	_ =	shalt  }
0x6e: {  	_ =	shalt  }
0x6f: {  	_ =	shalt  }
0x70: {  	_ =	shalt  }
0x71: {  	_ =	shalt  }
0x72: {  	_ =	shalt  }
0x73: {  	_ =	shalt  }
0x74: {  	_ =	shalt  }
0x75: {  	_ =	shalt  }
0x76: {  	_ =	shalt  }
0x77: {  	_ =	shalt  }
0x78: {  	_ =	shalt  }
0x79: {  	_ =	shalt  }
0x7a: {  	_ =	shalt  }
0x7b: {  	_ =	shalt  }
0x7c: {  	_ =	shalt  }
0x7d: {  	_ =	shalt  }
0x7e: {  	_ =	shalt  }
0x7f: {  	_ =	shalt  }
0x80: {  	_ =	shalt  }
0x81: {  	_ =	shalt  }
0x82: {  	_ =	shalt  }
0x83: {  	_ =	shalt  }
0x84: {  	_ =	shalt  }
0x85: {  	_ =	shalt  }
0x86: {  	_ =	shalt  }
0x87: {  	_ =	shalt  }
.Lfunc_end0:
.L_simem_size_0:
called_computation.1_lowered:
.L_overlay_start_0:
0x88: {  	s2 =	sld [smem:$0x3FD9]  }
0x89: {  	s3 =	sld [smem:$0x3FFE];
	_ =	sdelay $0x1  }
0x8a: {  	s1 =	srdreg.scid  }
0x8b: {  	s0 =	sand.u32 $0x1, s1  }
0x8c: {  	s17 =	sshll.u32 s0, $0xA;
	s2 =	sadd.s32 s3, s2  }
0x8d: {  	s2 =	sadd.s32 s2, s17  }
0x8e: {  	[smem:$0x3FC6] =	sst s2  }
0x8f: {  	_ = 	snop  }
0x90: {  	s2 =	sld [smem:$0x3FD0];
	(tm) =	ssettm $0x1  }
0x91: {  	s18 =	sld [smem:$0x3FFB];
	_ =	sdelay $0x3  }
0x92: {  	_ =	strace s18  }
0x93: {  	s3 =	sld [smem:$0x3FFC];
	_ =	sdelay $0x3  }
0x94: {  	_ =	strace s3  }
0x95: {  	s3 =	sld [smem:$0x3FFD];
	_ =	sdelay $0x3  }
0x96: {  	_ =	strace s3  }
0x97: {  	_ =	strace $0x8FFFFFFF  }
0x98: {  	s19 =	sld [smem:$0x3FDB];
	_ =	sdelay $0x1  }
0x99: {  	s4 =	simm.s32 $_scs_section_size  }
0x9a: {  	s5 =	simm.s32 $_size__tile_overlayer_lowered;
	s6 =	simm.s32 $_tile_overlayer_lowered  }
0x9b: {  	s22 =	simm.s32 $0x1BFF;
	s21 =	sshll.u32 s6, $0x1;
	s3 =	sadd.s32 s4, s19  }
0x9c: {  	s7 =	simm.s32 $0x0;
	s20 =	sshll.u32 s5, $0x1;
	s5 =	sadd.s32 s21, s3  }
0x9d: {  	[timem:s7], [sflag:s22] =	dma.local [hbm:s5], s20  }
0x9e: {  	_ =	swait.ge [sflag:s22], s20  }
0x9f: {  	s4 =	ssub.s32 $0x0, s20;
	[sflag:s22] =	ssyncset.done $0x0  }
0xa0: {  	[sflag:s22] =	ssyncadd.s32 s4;
	_ =	sdelay $0x1  }
0xa1: {  	s23 =	simm.s32 $0x1B8B  }
0xa2: {  	_ =	swait.ge [sflag:s23], $0x1  }
0xa3: {  	[sflag:s23] =	ssyncset.done $0x0  }
0xa4: {  	s25 =	simm.s32 $0x1B8E;
	s24 =	sld [smem:$0x3FFE];
	[sflag:s23] =	ssyncadd.s32 $0xFFFFFFFF  }
0xa5: {  	s26 =	simm.s32 $execute0_lowered;
	[smem:$0x3FD2] =	sst s25  }
0xa6: {  	s5 =	sshll.u32 s26, $0x1;
	_ =	strace $0x80000046;
	[dreg:$0x1] =	wrdreg $0xFFFFFFFF  }
0xa7: {  	s28 =	simm.s32 $_size_execute0_lowered;
	s3 =	sadd.s32 s3, s5;
	[dreg:$0x0] =	wrdreg $0x0  }
0xa8: {  	s5 =	sshll.u32 s28, $0x1;
	[dreg:$0x2] =	wrdreg s3  }
0xa9: {  	[dreg:$0x3] =	wrdreg s5  }
0xaa: {  	[dreg:$0x4] =	wrdreg $0xC0  }
0xab: {  	_ =	task [dreg:s7], $0x5FFFF  }
0xac: {  	[dreg:$0x1] =	wrdreg $0xFFFFFFFF  }
0xad: {  	[dreg:$0x0] =	wrdreg $0x60  }
0xae: {  	[dreg:$0x2] =	wrdreg s24  }
0xaf: {  	[dreg:$0x3] =	wrdreg s2  }
0xb0: {  	[dreg:$0x4] =	wrdreg $0x9  }
0xb1: {  	_ =	task.clear_ibuf [dreg:s7], $0x5FFFF;
	_ =	strace $0x90000046  }
0xb2: {  	s29 =	simm.s32 $0x9;
	_ =	strace $0x80000048  }
0xb3: {  	_ =	swait.ge [sflag:s29], $0x1  }
0xb4: {  	[sflag:s29] =	ssyncadd.s32 $0xFFFFFFFF  }
0xb5: {  	_ =	strace $0x90000048  }
0xb6: {  	_ =	sfence  }
0xb7: {  	s30 =	sld [smem:$0x0];
	_ =	sdelay $0x2  }
0xb8: {  	s31 =	sshll.u32 s1, $0xD;
	s1 =	sshrl.u32 s1, $0x2  }
0xb9: {  	s3 =	sand.u32 $0x4000, s31;
	s1 =	sadd.s32 s1, s30  }
0xba: {  	s0 =	sor.u32 s3, s0;
	s1 =	sshll.u32 s1, $0x11  }
0xbb: {  	s0 =	sor.u32 s1, s0  }
0xbc: {  	s0 =	sadd.s32 $0x8F2B, s0  }
0xbd: {  	[sflag:s0] =	ssyncadd.remote.s32 $0x1  }
0xbe: {  	_ =	sfence.sel $0xFFFF  }
0xbf: {  	[dreg:$0x0] =	wrdreg $0xFFFFFFFF;
	(pc) =	sbr.abs _section_cstart, $3  }
0xc0: {  	[dreg:$0x1] =	wrdreg $0xFFFFFFFF  }
0xc1: {  	_ =	task.clear_ibuf [dreg:s7], $0x2FFFF;
	_ =	strace $0x9FFFFFFF  }
0xc2: {  	(tm) =	ssettm $0x7FFFFFFF  }
0xc3: {  	_ =	shalt  }
tec
execute0_lowered:
.L_overlay_start_1:
0x0: {  	(tag) =	ssettag $0x1  }
0x1: {  	s0 =	rddreg [dreg:$0x0]  }
0x2: {  	s2 =	rddreg [dreg:$0x1];
	s1 =	srdreg.scid  }
0x3: {  	s10 =	stileid.u32;
	s3 =	simm.s32 $0x0;
	s14 =	simm.s32 $0x4  }
0x4: {  	s15 =	simm.s32 $0x80;
	s16 =	simm.s32 $0x800;
	s31 =	simm.s32 $0x1  }
0x5: {  	s12 =	simm.s32 $0x4800;
	s18 =	simm.s32 $0x5800;
	s9 =	smul.u32 $0x1900000, s10  }
0x6: {  	s1 =	sand.u32 $0x1, s1;
	s4 =	sshll.u32 s10, $0x1;
	s23 =	smul.u32 $0x32000, s10  }
0x7: {  	[smem:$0x7FF] =	sst s3;
	s7 =	sadd.s32 $0x800, s0;
	s21 =	smul.u32 $0xC80000, s1  }
0x8: {  	s4 =	sor.u32 s1, s4;
	s5 =	ssub.s32 $0x2, s1;
	s1 =	smul.u32 $0x19000, s1  }
0x9: {  	s0 =	sadd.s32 $0x64800, s0;
	s6 =	smul.u32 $0x19000, s4;
	s8 =	sshrl.u32 s5, $0x1  }
0xa: {  	_ =	strace $0x80000047;
	s4 =	smul.u32 $0xC80000, s4;
	s5 =	ssub.s32 s5, s8  }
0xb: {  	s25 =	sadd.s32 s21, s9;
	s1 =	sadd.s32 s1, s23;
	s9 =	simm.s32 $0x3800  }
0xc: {  	s19 =	sshrl.u32 s6, $0x3;
	s20 =	sor.u32 $0x800, s6;
	s5 =	smax.u32 s5, $0x1  }
0xd: {  	s4 =	sshrl.u32 s4, $0x3;
	s22 =	sor.u32 $0x400, s6;
	s28 =	sadd.s32 $0x1000, s1  }
0xe: {  	s1 =	sor.u32 $0xC00, s1;
	s8 =	sadd.s32 s7, s19;
	[dreg:$0x4] =	wrdreg s5  }
0xf: {  	s4 =	sadd.s32 s0, s4;
	s24 =	sshrl.u32 s22, $0x3;
	s26 =	sshrl.u32 s20, $0x3  }
0x10: {  	s29 =	sshrl.u32 s28, $0x3;
	s30 =	sshll.u32 s1, $0x4;
	[dreg:$0x3] =	wrdreg s8  }
0x11: {  	s1 =	sshrl.u32 s1, $0x3;
	[dreg:$0x5] =	wrdreg s4;
	s4 =	sshll.u32 s22, $0x4  }
0x12: {  	s10 =	sadd.s32 s7, s24;
	s5 =	sadd.s32 s7, s26;
	s11 =	sadd.s32 s29, s7  }
0x13: {  	s13 =	sadd.s32 s1, s7;
	s1 =	simm.s32 $0x400;
	s4 =	sadd.s32 s0, s4  }
.Ltmp0:
0x14: {  	[dreg:$0x7] =	wrdreg s4;
	s4 =	sor.u32 $0x40000, s25;
	(pc) =	sbr.rel .LBB2_1-.Ltmp0, $4  }
0x15: {  	s24 =	simm.s32 $0x2;
	[dreg:$0x6] =	wrdreg s10;
	s4 =	sshrl.u32 s4, $0x3  }
0x16: {  	[dreg:$0x8] =	wrdreg s5;
	s5 =	simm.s32 $0x0;
	s4 =	sadd.s32 s4, s0  }
0x17: {  	s25 =	simm.s32 $0x3;
	s0 =	sadd.s32 s30, s0;
	[dreg:$0x9] =	wrdreg s4  }
0x18: {  	[dreg:$0xa] =	wrdreg s0;
	s0 =	simm.s32 $0x20;
	s4 =	simm.s32 $0x8800  }
.LBB2_4:
0x19: {  	_ =	swait.ge [sflag:s24], $0x8000  }
0x1a: {  	[sflag:s24] =	ssyncset.done $0x0  }
0x1b: {  	[sflag:s24] =	ssyncadd.s32 $0xFFFF8000  }
0x1c: {  	_ =	swait.ge [sflag:s25], $0x8000  }
0x1d: {  	s5 =	rddreg [dreg:$0xb]  }
0x1e: {  	s26 =	rddreg [dreg:$0x4];
	s5 =	sadd.s32 $0x1, s5  }
0x1f: {  	p0 =	sne.s32 s5, s26  }
.Ltmp1:
0x20: {  	_ = 	snop;
	(pc) =	sbr.rel @!p0 .LBB2_5-.Ltmp1, $3  }
0x21: {  	_ =	sdelay $0x1  }
0x22: {  	[sflag:s25] =	ssyncset.done $0x0  }
0x23: {  	[sflag:s25] =	ssyncadd.s32 $0xFFFF8000  }
.LBB2_1:
0x24: {  	[dreg:$0xb] =	wrdreg s5  }
0x25: {  	s26 =	rddreg [dreg:$0x3]  }
0x26: {  	[tilespmem:s3], [sflag:$0x4] =	stream.linear.gather [hbm4b:s26+s3], $0x400, $0x38;
	[tilespmem:$0x10800] =	vst v63  }
0x27: {  	_ =	swait.ge [sflag:s14], $0x400  }
0x28: {  	[sflag:s14] =	ssyncset.done $0x0  }
0x29: {  	[sflag:s14] =	ssyncadd.s32 $0xFFFFFC00  }
0x2a: {  	[tilespmem:s16], [sflag:$0x1] =	stream.indirect.gather [hbm4b:s2+s15], $0x20, s3, s15, $0xb8;
	[tilespmem:$0x10800] =	vst v63  }
0x2b: {  	s6 =	simm.s32 $0x1800  }
0x2c: {  	[tilespmem:s6], [sflag:$0x1] =	stream.indirect.gather [hbm4b:s2+s15], $0x20, s15, s15, $0xb8;
	[tilespmem:$0x10800] =	vst v63  }
0x2d: {  	s8 =	simm.s32 $0x100;
	s30 =	simm.s32 $0x2800  }
0x2e: {  	[tilespmem:s30], [sflag:$0x1] =	stream.indirect.gather [hbm4b:s2+s15], $0x20, s8, s15, $0xb8;
	[tilespmem:$0x10800] =	vst v63  }
0x2f: {  	s10 =	simm.s32 $0x180;
	s28 =	simm.s32 $0x3800  }
0x30: {  	[tilespmem:s28], [sflag:$0x1] =	stream.indirect.gather [hbm4b:s2+s15], $0x20, s10, s15, $0xb8;
	[tilespmem:$0x10800] =	vst v63  }
0x31: {  	s17 =	simm.s32 $0x200;
	s29 =	simm.s32 $0x4800  }
0x32: {  	[tilespmem:s29], [sflag:$0x1] =	stream.indirect.gather [hbm4b:s2+s15], $0x20, s17, s15, $0xb8;
	[tilespmem:$0x10800] =	vst v63  }
0x33: {  	s19 =	simm.s32 $0x280;
	s20 =	simm.s32 $0x5800  }
0x34: {  	[tilespmem:s20], [sflag:$0x1] =	stream.indirect.gather [hbm4b:s2+s15], $0x20, s19, s15, $0xb8;
	[tilespmem:$0x10800] =	vst v63  }
0x35: {  	s21 =	simm.s32 $0x300;
	s22 =	simm.s32 $0x6800  }
0x36: {  	[tilespmem:s22], [sflag:$0x1] =	stream.indirect.gather [hbm4b:s2+s15], $0x20, s21, s15, $0xb8;
	[tilespmem:$0x10800] =	vst v63  }
0x37: {  	s23 =	simm.s32 $0x380;
	s26 =	simm.s32 $0x7800  }
0x38: {  	[tilespmem:s26], [sflag:$0x1] =	stream.indirect.gather [hbm4b:s2+s15], $0x20, s23, s15, $0xb8;
	[tilespmem:$0x10800] =	vst v63  }
0x39: {  	_ =	swait.ge [sflag:s31], $0x8000  }
0x3a: {  	[sflag:s31] =	ssyncset.done $0x0  }
0x3b: {  	s5 =	rddreg [dreg:$0x5];
	[sflag:s31] =	ssyncadd.s32 $0xFFFF8000  }
0x3c: {  	[hbm4b:s5+s0] =	stream.strided.scatter [tilespmem:s16], [sflag:$0x2], $0x8000, s15, s0, $0x38;
	[tilespmem:$0x10800] =	vst v63  }
0x3d: {  	s7 =	rddreg [dreg:$0x6]  }
0x3e: {  	[tilespmem:s1], [sflag:$0x4] =	stream.linear.gather [hbm4b:s7+s3], $0x400, $0x38;
	[tilespmem:$0x10800] =	vst v63  }
0x3f: {  	_ =	swait.ge [sflag:s14], $0x400  }
0x40: {  	[sflag:s14] =	ssyncset.done $0x0  }
0x41: {  	[sflag:s14] =	ssyncadd.s32 $0xFFFFFC00  }
0x42: {  	[tilespmem:s4], [sflag:$0x1] =	stream.indirect.gather [hbm4b:s2+s15], $0x20, s1, s15, $0xb8;
	[tilespmem:$0x10800] =	vst v63  }
0x43: {  	s26 =	simm.s32 $0x480;
	s7 =	simm.s32 $0x9800  }
0x44: {  	[tilespmem:s7], [sflag:$0x1] =	stream.indirect.gather [hbm4b:s2+s15], $0x20, s26, s15, $0xb8;
	[tilespmem:$0x10800] =	vst v63  }
0x45: {  	s7 =	simm.s32 $0x500;
	s26 =	simm.s32 $0xA800  }
0x46: {  	[tilespmem:s26], [sflag:$0x1] =	stream.indirect.gather [hbm4b:s2+s15], $0x20, s7, s15, $0xb8;
	[tilespmem:$0x10800] =	vst v63  }
0x47: {  	s7 =	simm.s32 $0x580;
	s26 =	simm.s32 $0xB800  }
0x48: {  	[tilespmem:s26], [sflag:$0x1] =	stream.indirect.gather [hbm4b:s2+s15], $0x20, s7, s15, $0xb8;
	[tilespmem:$0x10800] =	vst v63  }
0x49: {  	s7 =	simm.s32 $0x600;
	s26 =	simm.s32 $0xC800  }
0x4a: {  	[tilespmem:s26], [sflag:$0x1] =	stream.indirect.gather [hbm4b:s2+s15], $0x20, s7, s15, $0xb8;
	[tilespmem:$0x10800] =	vst v63  }
0x4b: {  	s7 =	simm.s32 $0x680;
	s26 =	simm.s32 $0xD800  }
0x4c: {  	[tilespmem:s26], [sflag:$0x1] =	stream.indirect.gather [hbm4b:s2+s15], $0x20, s7, s15, $0xb8;
	[tilespmem:$0x10800] =	vst v63  }
0x4d: {  	s7 =	simm.s32 $0x700;
	s26 =	simm.s32 $0xE800  }
0x4e: {  	[tilespmem:s26], [sflag:$0x1] =	stream.indirect.gather [hbm4b:s2+s15], $0x20, s7, s15, $0xb8;
	[tilespmem:$0x10800] =	vst v63  }
0x4f: {  	s7 =	simm.s32 $0x780;
	s26 =	simm.s32 $0xF800  }
0x50: {  	[tilespmem:s26], [sflag:$0x1] =	stream.indirect.gather [hbm4b:s2+s15], $0x20, s7, s15, $0xb8;
	[tilespmem:$0x10800] =	vst v63  }
0x51: {  	_ =	swait.ge [sflag:s31], $0x8000  }
0x52: {  	[sflag:s31] =	ssyncset.done $0x0  }
0x53: {  	s5 =	rddreg [dreg:$0x7];
	[sflag:s31] =	ssyncadd.s32 $0xFFFF8000  }
0x54: {  	[hbm4b:s5+s0] =	stream.strided.scatter [tilespmem:s4], [sflag:$0x3], $0x8000, s15, s0, $0x38;
	[tilespmem:$0x10800] =	vst v63  }
0x55: {  	s7 =	rddreg [dreg:$0x8]  }
0x56: {  	[tilespmem:s3], [sflag:$0x4] =	stream.linear.gather [hbm4b:s7+s3], $0x400, $0x38;
	[tilespmem:$0x10800] =	vst v63  }
0x57: {  	_ =	swait.ge [sflag:s14], $0x400  }
0x58: {  	[sflag:s14] =	ssyncset.done $0x0  }
0x59: {  	[sflag:s14] =	ssyncadd.s32 $0xFFFFFC00  }
0x5a: {  	_ =	swait.ge [sflag:s24], $0x8000  }
0x5b: {  	[sflag:s24] =	ssyncset.done $0x0  }
0x5c: {  	[sflag:s24] =	ssyncadd.s32 $0xFFFF8000  }
0x5d: {  	[tilespmem:s16], [sflag:$0x1] =	stream.indirect.gather [hbm4b:s2+s15], $0x20, s3, s15, $0xb8;
	[tilespmem:$0x10800] =	vst v63  }
0x5e: {  	_ = 	snop  }
0x5f: {  	[tilespmem:s6], [sflag:$0x1] =	stream.indirect.gather [hbm4b:s2+s15], $0x20, s15, s15, $0xb8;
	[tilespmem:$0x10800] =	vst v63  }
0x60: {  	_ = 	snop  }
0x61: {  	[tilespmem:s30], [sflag:$0x1] =	stream.indirect.gather [hbm4b:s2+s15], $0x20, s8, s15, $0xb8;
	[tilespmem:$0x10800] =	vst v63  }
0x62: {  	s5 =	simm.s32 $0x1800;
	s7 =	simm.s32 $0x2800  }
0x63: {  	[tilespmem:s28], [sflag:$0x1] =	stream.indirect.gather [hbm4b:s2+s15], $0x20, s10, s15, $0xb8;
	[tilespmem:$0x10800] =	vst v63  }
0x64: {  	s26 =	rddreg [dreg:$0xa];
	s6 =	simm.s32 $0x100;
	s8 =	simm.s32 $0x180  }
0x65: {  	[tilespmem:s29], [sflag:$0x1] =	stream.indirect.gather [hbm4b:s2+s15], $0x20, s17, s15, $0xb8;
	[tilespmem:$0x10800] =	vst v63  }
0x66: {  	s30 =	simm.s32 $0x7800;
	s10 =	simm.s32 $0x200;
	s28 =	simm.s32 $0x0  }
0x67: {  	[tilespmem:s20], [sflag:$0x1] =	stream.indirect.gather [hbm4b:s2+s15], $0x20, s19, s15, $0xb8;
	[tilespmem:$0x10800] =	vst v63  }
0x68: {  	s17 =	simm.s32 $0x280;
	s29 =	rddreg [dreg:$0x9];
	s19 =	simm.s32 $0x300  }
0x69: {  	[tilespmem:s22], [sflag:$0x1] =	stream.indirect.gather [hbm4b:s2+s15], $0x20, s21, s15, $0xb8;
	[tilespmem:$0x10800] =	vst v63  }
0x6a: {  	s20 =	simm.s32 $0x6800;
	s21 =	simm.s32 $0x380;
	s22 =	simm.s32 $0x7800  }
0x6b: {  	[tilespmem:s30], [sflag:$0x1] =	stream.indirect.gather [hbm4b:s2+s15], $0x20, s23, s15, $0xb8;
	[tilespmem:$0x10800] =	vst v63  }
.LBB2_2:
0x6c: {  	_ =	swait.ge [sflag:s31], $0x8000  }
0x6d: {  	[sflag:s31] =	ssyncset.done $0x0  }
0x6e: {  	[sflag:s31] =	ssyncadd.s32 $0xFFFF8000  }
0x6f: {  	[hbm4b:s29+s0] =	stream.strided.scatter [tilespmem:s16], [sflag:$0x2], $0x8000, s15, s0, $0x38;
	[tilespmem:$0x10800] =	vst v63  }
0x70: {  	s30 =	sadd.s32 s28, s13  }
0x71: {  	[tilespmem:s1], [sflag:$0x4] =	stream.linear.gather [hbm4b:s30+s3], $0x400, $0x38;
	[tilespmem:$0x10800] =	vst v63  }
0x72: {  	_ =	swait.ge [sflag:s14], $0x400  }
0x73: {  	[sflag:s14] =	ssyncset.done $0x0  }
0x74: {  	[sflag:s14] =	ssyncadd.s32 $0xFFFFFC00  }
0x75: {  	_ =	swait.ge [sflag:s25], $0x8000  }
0x76: {  	[sflag:s25] =	ssyncset.done $0x0  }
0x77: {  	[sflag:s25] =	ssyncadd.s32 $0xFFFF8000  }
0x78: {  	[tilespmem:s4], [sflag:$0x1] =	stream.indirect.gather [hbm4b:s2+s15], $0x20, s1, s15, $0xb8;
	[tilespmem:$0x10800] =	vst v63  }
0x79: {  	s23 =	simm.s32 $0x9800;
	s30 =	simm.s32 $0x480  }
0x7a: {  	[tilespmem:s23], [sflag:$0x1] =	stream.indirect.gather [hbm4b:s2+s15], $0x20, s30, s15, $0xb8;
	[tilespmem:$0x10800] =	vst v63  }
0x7b: {  	s23 =	simm.s32 $0x500;
	s30 =	simm.s32 $0xA800  }
0x7c: {  	[tilespmem:s30], [sflag:$0x1] =	stream.indirect.gather [hbm4b:s2+s15], $0x20, s23, s15, $0xb8;
	[tilespmem:$0x10800] =	vst v63  }
0x7d: {  	s23 =	simm.s32 $0x580;
	s30 =	simm.s32 $0xB800  }
0x7e: {  	[tilespmem:s30], [sflag:$0x1] =	stream.indirect.gather [hbm4b:s2+s15], $0x20, s23, s15, $0xb8;
	[tilespmem:$0x10800] =	vst v63  }
0x7f: {  	s23 =	simm.s32 $0x600;
	s30 =	simm.s32 $0xC800  }
0x80: {  	[tilespmem:s30], [sflag:$0x1] =	stream.indirect.gather [hbm4b:s2+s15], $0x20, s23, s15, $0xb8;
	[tilespmem:$0x10800] =	vst v63  }
0x81: {  	s23 =	simm.s32 $0x680;
	s30 =	simm.s32 $0xD800  }
0x82: {  	[tilespmem:s30], [sflag:$0x1] =	stream.indirect.gather [hbm4b:s2+s15], $0x20, s23, s15, $0xb8;
	[tilespmem:$0x10800] =	vst v63  }
0x83: {  	s23 =	simm.s32 $0x700;
	s30 =	simm.s32 $0xE800  }
0x84: {  	[tilespmem:s30], [sflag:$0x1] =	stream.indirect.gather [hbm4b:s2+s15], $0x20, s23, s15, $0xb8;
	[tilespmem:$0x10800] =	vst v63  }
0x85: {  	p0 =	seq.s32 s28, $0x3000;
	s23 =	simm.s32 $0x780;
	s30 =	simm.s32 $0xF800  }
0x86: {  	[tilespmem:s30], [sflag:$0x1] =	stream.indirect.gather [hbm4b:s2+s15], $0x20, s23, s15, $0xb8;
	[tilespmem:$0x10800] =	vst v63  }
.Ltmp2:
0x87: {  	_ = 	snop;
	(pc) =	sbr.rel @p0 .LBB2_4-.Ltmp2, $4  }
0x88: {  	_ =	swait.ge [sflag:s31], $0x8000  }
0x89: {  	[sflag:s31] =	ssyncset.done $0x0  }
0x8a: {  	[sflag:s31] =	ssyncadd.s32 $0xFFFF8000  }
0x8b: {  	[hbm4b:s26+s0] =	stream.strided.scatter [tilespmem:s4], [sflag:$0x3], $0x8000, s15, s0, $0x38;
	[tilespmem:$0x10800] =	vst v63  }
0x8c: {  	s30 =	sadd.s32 s28, s11  }
0x8d: {  	[tilespmem:s3], [sflag:$0x4] =	stream.linear.gather [hbm4b:s30+s3], $0x400, $0x38;
	[tilespmem:$0x10800] =	vst v63  }
0x8e: {  	_ =	swait.ge [sflag:s14], $0x400  }
0x8f: {  	[sflag:s14] =	ssyncset.done $0x0  }
0x90: {  	[sflag:s14] =	ssyncadd.s32 $0xFFFFFC00  }
0x91: {  	_ =	swait.ge [sflag:s24], $0x8000  }
0x92: {  	[sflag:s24] =	ssyncset.done $0x0  }
0x93: {  	[sflag:s24] =	ssyncadd.s32 $0xFFFF8000  }
0x94: {  	[tilespmem:s16], [sflag:$0x1] =	stream.indirect.gather [hbm4b:s2+s15], $0x20, s3, s15, $0xb8;
	[tilespmem:$0x10800] =	vst v63  }
0x95: {  	_ = 	snop  }
0x96: {  	[tilespmem:s5], [sflag:$0x1] =	stream.indirect.gather [hbm4b:s2+s15], $0x20, s15, s15, $0xb8;
	[tilespmem:$0x10800] =	vst v63  }
0x97: {  	_ = 	snop  }
0x98: {  	[tilespmem:s7], [sflag:$0x1] =	stream.indirect.gather [hbm4b:s2+s15], $0x20, s6, s15, $0xb8;
	[tilespmem:$0x10800] =	vst v63  }
0x99: {  	_ = 	snop  }
0x9a: {  	[tilespmem:s9], [sflag:$0x1] =	stream.indirect.gather [hbm4b:s2+s15], $0x20, s8, s15, $0xb8;
	[tilespmem:$0x10800] =	vst v63  }
0x9b: {  	_ = 	snop  }
0x9c: {  	[tilespmem:s12], [sflag:$0x1] =	stream.indirect.gather [hbm4b:s2+s15], $0x20, s10, s15, $0xb8;
	[tilespmem:$0x10800] =	vst v63  }
0x9d: {  	_ = 	snop  }
0x9e: {  	[tilespmem:s18], [sflag:$0x1] =	stream.indirect.gather [hbm4b:s2+s15], $0x20, s17, s15, $0xb8;
	[tilespmem:$0x10800] =	vst v63  }
.Ltmp3:
0x9f: {  	_ = 	snop;
	(pc) =	sbr.rel .LBB2_2-.Ltmp3, $4  }
0xa0: {  	_ = 	snop  }
0xa1: {  	[tilespmem:s20], [sflag:$0x1] =	stream.indirect.gather [hbm4b:s2+s15], $0x20, s19, s15, $0xb8;
	[tilespmem:$0x10800] =	vst v63  }
0xa2: {  	s29 =	sadd.s32 $0x8000, s29;
	s28 =	sadd.s32 $0x100, s28;
	s26 =	sadd.s32 $0x8000, s26  }
0xa3: {  	[tilespmem:s22], [sflag:$0x1] =	stream.indirect.gather [hbm4b:s2+s15], $0x20, s21, s15, $0xb8;
	[tilespmem:$0x10800] =	vst v63  }
.LBB2_5:
0xa4: {  	_ =	sfence.sel $0x180000  }
0xa5: {  	[bflag:$0x0] =	sbarrier.arrive $0xFFFF  }
0xa6: {  	_ =	strace $0x90000047  }
0xa7: {  	s0 =	stileid.u32;
	[bflag:$0x2] =	sbarrier.arrive $0xFFFF  }
0xa8: {  	p0 =	sne.s32 s0, $0x0;
	s0 =	rddreg [dreg:$0x2]  }
0xa9: {  	s0 =	sadd.s32 @!p0 $0x100000, s0  }
0xaa: {  	[sflag:s0] =	ssyncadd.tile.s32 @!p0 $0x1;
	_ =	shalt  }
.Lfunc_end2:
_tile_overlayer_lowered:
.L_overlay_start_2:
0xab: {  	(tag) =	ssettag $0x2  }
0xac: {  	s0 =	rddreg [dreg:$0x0];
	s2 =	stileid.u32  }
0xad: {  	s1 =	rddreg [dreg:$0x1];
	p0 =	sne.s32 s2, $0x0  }
0xae: {  	s3 =	rddreg [dreg:$0x2];
	[bflag:$0x3] =	sbarrier.arrive $0xFFFF;
	s2 =	simm.s32 @!p0 $0x1C04  }
0xaf: {  	[timem:s3], [sflag:s2] =	dma.local @!p0 [hbm:s0], s1  }
0xb0: {  	s0 =	simm.s32 @!p0 $0x4  }
0xb1: {  	_ =	swait.ge @!p0 [sflag:s0], s1  }
0xb2: {  	s1 =	ssub.s32 @!p0 $0x0, s1;
	[sflag:s0] =	ssyncset.done @!p0 $0x0  }
0xb3: {  	[sflag:s0] =	ssyncadd.s32 @!p0 s1  }
0xb4: {  	[bflag:$0x3] =	sbarrier.arrive $0xFFFF  }
0xb5: {  	_ =	shalt  }

// kernel: sparse-core-data-format-call.cloned.1.call-start
scs
called_computation_lowered:
.L_overlay_start_0:
0x0: {  	s2 =	sld [smem:$0x3FD9]  }
0x1: {  	s3 =	sld [smem:$0x3FFE];
	_ =	sdelay $0x1  }
0x2: {  	s1 =	srdreg.scid  }
0x3: {  	s0 =	sand.u32 $0x1, s1  }
0x4: {  	s18 =	sshll.u32 s0, $0xA;
	s2 =	sadd.s32 s3, s2  }
0x5: {  	s2 =	sadd.s32 s2, s18  }
0x6: {  	[smem:$0x3FC6] =	sst s2  }
0x7: {  	_ = 	snop  }
0x8: {  	s2 =	sld [smem:$0x3FD0];
	(tm) =	ssettm $0x1  }
0x9: {  	s19 =	sld [smem:$0x3FFB];
	_ =	sdelay $0x3  }
0xa: {  	_ =	strace s19  }
0xb: {  	s3 =	sld [smem:$0x3FFC];
	_ =	sdelay $0x3  }
0xc: {  	_ =	strace s3  }
0xd: {  	s3 =	sld [smem:$0x3FFD];
	_ =	sdelay $0x3  }
0xe: {  	_ =	strace s3  }
0xf: {  	_ =	strace $0x8FFFFFFF  }
0x10: {  	s20 =	sld [smem:$0x3FDB];
	_ =	sdelay $0x1  }
0x11: {  	s4 =	simm.s32 $_scs_section_size  }
0x12: {  	s5 =	simm.s32 $_size__tile_overlayer_lowered;
	s6 =	simm.s32 $_tile_overlayer_lowered  }
0x13: {  	s23 =	simm.s32 $0x1BFF;
	s22 =	sshll.u32 s6, $0x1;
	s3 =	sadd.s32 s4, s20  }
0x14: {  	s7 =	simm.s32 $0x0;
	s21 =	sshll.u32 s5, $0x1;
	s5 =	sadd.s32 s22, s3  }
0x15: {  	[timem:s7], [sflag:s23] =	dma.local [hbm:s5], s21  }
0x16: {  	_ =	swait.ge [sflag:s23], s21  }
0x17: {  	s4 =	ssub.s32 $0x0, s21;
	[sflag:s23] =	ssyncset.done $0x0  }
0x18: {  	[sflag:s23] =	ssyncadd.s32 s4;
	_ =	sdelay $0x1  }
0x19: {  	s24 =	simm.s32 $0x1B8B  }
0x1a: {  	_ =	swait.ge [sflag:s24], $0x1  }
0x1b: {  	[sflag:s24] =	ssyncset.done $0x0  }
0x1c: {  	s26 =	simm.s32 $0x1B8E;
	s25 =	sld [smem:$0x3FFE];
	[sflag:s24] =	ssyncadd.s32 $0xFFFFFFFF  }
0x1d: {  	s27 =	simm.s32 $execute0_lowered;
	[smem:$0x3FD2] =	sst s26  }
0x1e: {  	s5 =	sshll.u32 s27, $0x1;
	_ =	strace $0x80000049;
	[dreg:$0x1] =	wrdreg $0xFFFFFFFF  }
0x1f: {  	s28 =	simm.s32 $_size_execute0_lowered;
	s3 =	sadd.s32 s3, s5;
	[dreg:$0x0] =	wrdreg $0x0  }
0x20: {  	s5 =	sshll.u32 s28, $0x1;
	[dreg:$0x2] =	wrdreg s3  }
0x21: {  	[dreg:$0x3] =	wrdreg s5  }
0x22: {  	[dreg:$0x4] =	wrdreg $0xC0  }
0x23: {  	_ =	task [dreg:s7], $0x5FFFF  }
0x24: {  	[dreg:$0x1] =	wrdreg $0xFFFFFFFF  }
0x25: {  	[dreg:$0x0] =	wrdreg $0x60  }
0x26: {  	[dreg:$0x2] =	wrdreg s25  }
0x27: {  	[dreg:$0x3] =	wrdreg s2  }
0x28: {  	[dreg:$0x4] =	wrdreg $0x9  }
0x29: {  	_ =	task.clear_ibuf [dreg:s7], $0x5FFFF;
	_ =	strace $0x90000049  }
0x2a: {  	s29 =	simm.s32 $0x9;
	_ =	strace $0x8000004B  }
0x2b: {  	_ =	swait.ge [sflag:s29], $0x1  }
0x2c: {  	[sflag:s29] =	ssyncadd.s32 $0xFFFFFFFF  }
0x2d: {  	_ =	strace $0x9000004B  }
0x2e: {  	_ =	sfence  }
0x2f: {  	s30 =	sld [smem:$0x0];
	_ =	sdelay $0x2  }
0x30: {  	s31 =	sshll.u32 s1, $0xD;
	s1 =	sshrl.u32 s1, $0x2  }
0x31: {  	s3 =	sand.u32 $0x4000, s31;
	s1 =	sadd.s32 s1, s30  }
0x32: {  	s0 =	sor.u32 s3, s0;
	s1 =	sshll.u32 s1, $0x11  }
0x33: {  	s0 =	sor.u32 s1, s0  }
0x34: {  	s0 =	sadd.s32 $0x8F2B, s0  }
0x35: {  	[sflag:s0] =	ssyncadd.remote.s32 $0x1  }
0x36: {  	_ =	sfence.sel $0xFFFF  }
0x37: {  	[dreg:$0x0] =	wrdreg $0xFFFFFFFF;
	(pc) =	sbr.abs _section_cstart, $3  }
0x38: {  	[dreg:$0x1] =	wrdreg $0xFFFFFFFF  }
0x39: {  	_ =	task.clear_ibuf [dreg:s7], $0x2FFFF;
	_ =	strace $0x9FFFFFFF  }
0x3a: {  	(tm) =	ssettm $0x7FFFFFFF  }
0x3b: {  	_ =	shalt  }
tec
execute0_lowered:
.L_overlay_start_1:
0x0: {  	(tag) =	ssettag $0x1  }
0x1: {  	s0 =	srdreg.scid  }
0x2: {  	s1 =	sshll.u32 s0, $0x4  }
0x3: {  	s0 =	stileid.u32;
	s1 =	sand.u32 $0x10, s1  }
0x4: {  	s1 =	sor.u32 s0, s1  }
0x5: {  	s6 =	rddreg [dreg:$0x0];
	s4 =	simm.s32 $0x1;
	s2 =	sshll.u32 s1, $0x7  }
0x6: {  	s7 =	simm.s32 $0x2;
	s12 =	simm.s32 $0x0;
	s1 =	ssub.s32 $0x4000, s2  }
0x7: {  	s8 =	simm.s32 $0x20000;
	s13 =	simm.s32 $0x0;
	s3 =	sand.u32 $0xF80, s1  }
0x8: {  	s9 =	simm.s32 $0x0;
	s5 =	sshrl.u32 s1, $0xC;
	p0 =	sne.s32 s3, $0x0  }
.Ltmp0:
0x9: {  	s1 =	rddreg [dreg:$0x2];
	s4 =	simm.s32 @!p0 $0x0;
	(pc) =	sbr.rel .LBB1_1-.Ltmp0, $4  }
0xa: {  	s11 =	simm.s32 $0x0;
	s3 =	rddreg [dreg:$0x1];
	s5 =	sadd.s32 s4, s5  }
0xb: {  	_ =	strace $0x8000004A;
	s4 =	simm.s32 $0x1;
	s5 =	smul.u32 $0xC8, s5  }
0xc: {  	s6 =	sadd.s32 $0x64800, s6;
	s10 =	smov.u32 s2;
	[sflag:s4] =	ssyncpa.u1 $0x0  }
0xd: {  	p0 =	por $0x0, $0x0;
	[sflag:s7] =	ssyncpa.u1 $0x0;
	s7 =	sor.u32 $0x1, s5  }
.LBB1_4:
0xe: {  	s16 =	sshll.u32 s13, $0x3;
	s17 =	sand.u32 $0x78, s13  }
0xf: {  	s30 =	sand.u32 $0xF800, s13;
	s12 =	sshll.u32 s12, $0x10;
	s16 =	sand.u32 $0x3C00, s16  }
0x10: {  	s31 =	sand.u32 $0x7, s13;
	s16 =	sor.u32 s17, s16;
	s17 =	sadd.s32 s3, s30  }
0x11: {  	s13 =	sshll.u32 s31, $0x12;
	s16 =	sshrl.u32 s16, $0x3;
	s12 =	sadd.s32 s12, s17  }
0x12: {  	[tilespmem:s15+$0x0 ss:$0x81] =	vst.msk $0xffff, v0;
	s13 =	sor.u32 $0x400, s13;
	s12 =	sadd.s32 s16, s12  }
0x13: {  	[hbm4b:s12+s13] =	stream.strided.scatter [tilespmem:s14], [sflag:$0x2], $0x1000, s8, s13, $0x20;
	[tilespmem:$0x4040] =	vst v63  }
.LBB1_5:
0x14: {  	s14 =	sadd.s32 $0x1, s9  }
0x15: {  	s12 =	sadd.s32 $0x1000, s10;
	s16 =	smov.u32 s10;
	p2 =	sgt.s32 s14, $0xC7  }
0x16: {  	s16 =	smov.u32 @p2 s12  }
0x17: {  	s14 =	simm.s32 @p2 $0x0;
	p2 =	sgt.s32 s16, $0x3FFF  }
0x18: {  	s16 =	smov.u32 @p2 s2;
	p2 =	sne.s32 s11, s7  }
.Ltmp1:
0x19: {  	p1 =	slt.u32 s11, $0x2;
	(pc) =	sbr.rel @!p2 .LBB1_6-.Ltmp1, $4  }
0x1a: {  	s15 =	simm.s32 @!p1 $0x2  }
0x1b: {  	s13 =	smov.u32 s10;
	p0 =	por !p0, !p0;
	_ =	swait.ge @!p1 [sflag:s15], $0x1000  }
0x1c: {  	s12 =	smov.u32 s9;
	[sflag:s15] =	ssyncset.done @!p1 $0x0;
	s9 =	smov.u32 s14  }
0x1d: {  	s11 =	sadd.s32 $0x1, s11;
	[sflag:s15] =	ssyncadd.s32 @!p1 $0xFFFFF000;
	s10 =	smov.u32 s16  }
.LBB1_1:
0x1e: {  	p1 =	sge.u32 s11, s5  }
0x1f: {  	s14 =	sand.u32 @!p1 $0x1FFFFFF, s9  }
0x20: {  	s15 =	smulhi.u32 @!p1 $0x147AE15, s14;
	_ =	sdelay $0x1  }
0x21: {  	s15 =	smul.u32 @!p1 $0xC8, s15  }
0x22: {  	s16 =	sxor.u32 @!p1 $0xFFFFFFFF, s11;
	s17 =	smul.u32 @!p1 $0xC80, s10  }
0x23: {  	s31 =	sadd.s32 $0xFFFFFFFF, s11;
	s16 =	sshll.u32 @!p1 s16, $0xC;
	s14 =	ssub.s32 @!p1 s14, s15  }
0x24: {  	s15 =	sand.u32 @!p1 $0x1000, s16;
	s16 =	sadd.s32 @!p1 s6, s17;
	s14 =	sshll.u32 @!p1 s14, $0x4  }
0x25: {  	s17 =	simm.s32 @!p1 $0x6400;
	s14 =	sadd.s32 @!p1 s14, s16;
	s16 =	simm.s32 @!p1 $0x20  }
0x26: {  	[tilespmem:s15], [sflag:$0x1] =	stream.strided.gather @!p1 [hbm4b:s14+s16], $0x1000, s17, s16, $0x38;
	[tilespmem:$0x4040] =	vst v63  }
0x27: {  	p1 =	sge.u32 s31, s5  }
.Ltmp2:
0x28: {  	_ = 	snop;
	(pc) =	sbr.rel @p1 .LBB1_5-.Ltmp2, $1  }
0x29: {  	_ =	sdelay $0x3  }
0x2a: {  	s14 =	simm.s32 $0x1  }
0x2b: {  	_ =	swait.ge [sflag:s4], $0x1000;
	s14 =	simm.s32 @!p0 $0x0  }
0x2c: {  	[sflag:s4] =	ssyncset.done $0x0;
	s15 =	sshll.u32 s14, $0xC  }
0x2d: {  	[sflag:s4] =	ssyncadd.s32 $0xFFFFF000;
	s18 =	sor.u32 $0x10, s15  }
0x2e: {  	s14 =	smul.u32 $0x4080, s14;
	v1 =	vld [tilespmem:s18+$0x0]  }
0x2f: {  	s30 =	sand.u32 $0x1, s11;
	v0 =	vld [tilespmem:s18+$0xFFFFFFF0]  }
0x30: {  	s15 =	smul.u32 $0x4080, s30;
	s14 =	sshrl.u32 s14, $0x2  }
0x31: {  	s16 =	sor.u32 $0x2000, s14  }
0x32: {  	s31 =	sshrl.u32 s15, $0x2;
	s15 =	sadd.s32 $0x0, s16  }
0x33: {  	s17 =	simm.s32 $0x4;
	s18 =	sadd.s32 $0x20, s18;
	s14 =	sor.u32 $0x2000, s31;
	[tilespmem:s15+$0x810 ss:$0x81] =	vst.msk $0xffff, v1  }
.LBB1_3:
0x34: {  	v1 =	vld [tilespmem:s18+$0x0];
	p1 =	sne.s32 s17, $0x1FC;
	[tilespmem:s15+$0x0 ss:$0x81] =	vst.msk $0xffff, v0;
	s15 =	smov.u32 s17;
	s17 =	sadd.s32 $0x4, s17  }
.Ltmp3:
0x35: {  	v0 =	vld [tilespmem:s18+$0xFFFFFFF0];
	(pc) =	sbr.rel @p1 .LBB1_3-.Ltmp3, $4  }
0x36: {  	_ = 	snop  }
0x37: {  	s15 =	sshra.s32 s15, $0x2  }
0x38: {  	s15 =	sadd.s32 s15, s16  }
0x39: {  	s18 =	sadd.s32 $0x20, s18;
	[tilespmem:s15+$0x810 ss:$0x81] =	vst.msk $0xffff, v1  }
.Ltmp4:
0x3a: {  	_ = 	snop;
	(pc) =	sbr.rel .LBB1_4-.Ltmp4, $1  }
0x3b: {  	_ =	sdelay $0x3  }
.LBB1_6:
0x3c: {  	_ =	sfence.sel $0x180000  }
0x3d: {  	s2 =	simm.s32 $0x1;
	[bflag:$0x0] =	sbarrier.arrive $0xFFFF  }
0x3e: {  	s31 =	simm.s32 $0x2;
	[sflag:s2] =	ssyncpa.u1 $0x1  }
0x3f: {  	[sflag:s31] =	ssyncpa.u1 $0x1  }
0x40: {  	p0 =	sne.s32 s0, $0x0;
	_ =	strace $0x9000004A  }
0x41: {  	s0 =	sadd.s32 @!p0 $0x100000, s1;
	[bflag:$0x2] =	sbarrier.arrive $0xFFFF  }
0x42: {  	[sflag:s0] =	ssyncadd.tile.s32 @!p0 $0x1;
	_ =	shalt  }
.Lfunc_end1:
_tile_overlayer_lowered:
.L_overlay_start_2:
0x43: {  	(tag) =	ssettag $0x2  }
0x44: {  	s0 =	rddreg [dreg:$0x0];
	s2 =	stileid.u32  }
0x45: {  	s1 =	rddreg [dreg:$0x1];
	p0 =	sne.s32 s2, $0x0  }
0x46: {  	s3 =	rddreg [dreg:$0x2];
	[bflag:$0x3] =	sbarrier.arrive $0xFFFF;
	s2 =	simm.s32 @!p0 $0x1C01  }
0x47: {  	[timem:s3], [sflag:s2] =	dma.local @!p0 [hbm:s0], s1  }
0x48: {  	s0 =	simm.s32 @!p0 $0x1  }
0x49: {  	_ =	swait.ge @!p0 [sflag:s0], s1  }
0x4a: {  	s1 =	ssub.s32 @!p0 $0x0, s1;
	[sflag:s0] =	ssyncset.done @!p0 $0x0  }
0x4b: {  	[sflag:s0] =	ssyncadd.s32 @!p0 s1  }
0x4c: {  	[bflag:$0x3] =	sbarrier.arrive $0xFFFF  }
0x4d: {  	_ =	shalt  }

</sc_bundles>
